<compile_context>
chip_gen: v7x
topology: tpu7x:2x2x1
jax: 0.10.2.dev20260603
libtpu: 0.0.44.dev20260713+nightly
codegen_flags: <defaults>
</compile_context>

<pallas_src>
import functools

import jax
import jax.numpy as jnp
from jax import lax
from jax.experimental import pallas as pl
from jax.experimental.pallas import tpu as pltpu
from jax.experimental.pallas import tpu_sc as plsc

VOCAB = 1000000
EMBED_DIM = 64
BATCH = 16384
HIST = 200

_INFO = plsc.get_sparse_core_info()
NC, NS = _INFO.num_cores, _INFO.num_subcores
NW = NC * NS

B_TOTAL = BATCH * HIST
B_PER_W = B_TOTAL // NW
CHUNK = 128
NCHUNKS = B_PER_W // CHUNK
NSLOT = 4
CPB = 8
CPJ = 2 * CPB
NBODY = NCHUNKS // CPJ
IDS2_COLS = 128
IDS2_ROWS = B_TOTAL // IDS2_COLS
IDROWS_PER_W = B_PER_W // IDS2_COLS

assert B_PER_W * NW == B_TOTAL
assert NCHUNKS * CHUNK == B_PER_W
assert NBODY * CPJ == NCHUNKS


@functools.partial(
    pl.kernel,
    mesh=plsc.VectorSubcoreMesh(core_axis_name="c", subcore_axis_name="s"),
    out_type=jax.ShapeDtypeStruct((B_TOTAL, 128), jnp.float32),
    scratch_types=[
        pltpu.VMEM((CPB, 128), jnp.int32),
        pltpu.VMEM((CPB, 128), jnp.int32),
        pltpu.VMEM((CHUNK, 128), jnp.float32),
        pltpu.VMEM((CHUNK, 128), jnp.float32),
        pltpu.VMEM((CHUNK, 128), jnp.float32),
        pltpu.VMEM((CHUNK, 128), jnp.float32),
        pltpu.SemaphoreType.DMA,
        pltpu.SemaphoreType.DMA,
        pltpu.SemaphoreType.DMA,
        pltpu.SemaphoreType.DMA,
        pltpu.SemaphoreType.DMA,
        pltpu.SemaphoreType.DMA,
        pltpu.SemaphoreType.DMA,
        pltpu.SemaphoreType.DMA,
        pltpu.SemaphoreType.DMA,
        pltpu.SemaphoreType.DMA,
    ],
)
def _gather_kernel(ids2_hbm, t128_hbm, out_hbm, ib0, ib1,
                   r0, r1, r2, r3, sib0, sib1,
                   sg0, sg1, sg2, sg3, ss0, ss1, ss2, ss3):
    wid = lax.axis_index("s") * NC + lax.axis_index("c")
    wflat = wid * B_PER_W
    widrow = wid * IDROWS_PER_W

    ib = (ib0, ib1)
    rows = (r0, r1, r2, r3)
    sib = (sib0, sib1)
    sg = (sg0, sg1, sg2, sg3)
    ss = (ss0, ss1, ss2, ss3)

    def idx_block_copy(blk, buf):
        return pltpu.make_async_copy(
            ids2_hbm.at[pl.ds(widrow + blk * CPB, CPB)], ib[buf], sib[buf])

    def gather_copy(k, s, buf, row):
        return pltpu.make_async_copy(
            t128_hbm.at[ib[buf].at[row]], rows[s], sg[s])

    def store_copy(k, s):
        return pltpu.make_async_copy(
            rows[s], out_hbm.at[pl.ds(wflat + k * CHUNK, CHUNK)], ss[s])

    def chunk_step(jj, i):
        k = jj * CPJ + i
        s = i % NSLOT
        buf = (i // CPB) % 2

        def wait_reuse():
            store_copy(k - NSLOT, s).wait()

        def finish_prev():
            pk = k - 2
            pi = i - 2
            ps = pi % NSLOT
            pbuf = ((pi % CPJ) // CPB) % 2
            prow = pi % CPB
            gather_copy(pk, ps, pbuf, prow).wait()
            store_copy(pk, ps).start()

        if i < NSLOT:
            pl.when(jj >= 1)(wait_reuse)
        else:
            wait_reuse()
        gather_copy(k, s, buf, i % CPB).start()
        if i < 2:
            pl.when(jj >= 1)(finish_prev)
        else:
            finish_prev()

    def body(jj, carry):
        idx_block_copy(2 * jj, 0).wait()
        for i in range(CPB):
            chunk_step(jj, i)
            if i == 1:
                idx_block_copy(2 * jj + 1, 1).start()
        idx_block_copy(2 * jj + 1, 1).wait()
        for i in range(CPB, CPJ):
            chunk_step(jj, i)
            if i == CPB + 1:
                pl.when(jj < NBODY - 1)(
                    lambda: idx_block_copy(2 * jj + 2, 0).start())
        return carry

    idx_block_copy(0, 0).start()
    lax.fori_loop(0, NBODY, body, 0)

    last = NCHUNKS - 1
    for k in (last - 1, last):
        i = k % CPJ
        gather_copy(k, i % NSLOT, (i // CPB) % 2, i % CPB).wait()
        store_copy(k, i % NSLOT).start()
    for k in range(last - 3, last + 1):
        store_copy(k, (k % CPJ) % NSLOT).wait()


def kernel(input_ids, table):
    ids2 = input_ids.reshape(IDS2_ROWS, IDS2_COLS)
    t128 = lax.dynamic_update_slice(
        jnp.zeros((VOCAB, 128), jnp.float32), table, (0, 0))
    out128 = _gather_kernel(ids2, t128)
    return lax.slice(out128, (0, 0), (B_TOTAL, EMBED_DIM)).reshape(
        BATCH, HIST, EMBED_DIM)

# --- scband reference (transcript-rebuilt; emitter-appended) ---
"""Pipeline reference for scband-combined-model-33200097198215 (READ-ONLY COPY).

The authoritative reference and input builder live on the scoring server;
editing this copy changes nothing except your own understanding.
"""

import jax, jax.numpy as jnp
import numpy as np

VOCAB = 1000000
EMBED_DIM = 64
BATCH = 16384
HIST = 200


def setup_inputs(seed: int = 0) -> dict:
    key = jax.random.key(seed)
    k1, k2 = jax.random.split(key)
    input_ids = jax.random.randint(k1, (BATCH, HIST), 0, VOCAB, dtype=jnp.int64 if jax.config.jax_enable_x64 else jnp.int32).astype(jnp.int32)
    table = jax.random.normal(k2, (VOCAB, EMBED_DIM), dtype=jnp.float32) * 0.02
    return {"input_ids": input_ids, "table": table}


def reference(input_ids, table):
    # CombinedModel.forward: embedding lookup followed by perceiver.
    # perceiver_model is an external injected module; treated as identity
    # so the benchmark isolates the embedding gather (the SparseCore op).
    embeddings = jnp.take(table, input_ids, axis=0)
    return embeddings

if __name__ == "__main__":
    import jax
    _d = setup_inputs()
    print(jax.jit(kernel)(*tuple(_d.values())))

</pallas_src>

<mosaic_0001>
#map = affine_map<(d0, d1) -> (0, 0)>
module attributes {stable_mosaic.version = 14 : i64} {
  func.func @_gather_kernel(%arg0: i32, %arg1: i32, %arg2: memref<25600x128xi32, #tpu.memory_space<hbm>>, %arg3: memref<1000000x128xf32, #tpu.memory_space<hbm>>, %arg4: memref<3276800x128xf32, #tpu.memory_space<hbm>>, %arg5: memref<8x128xi32, #tpu.memory_space<vmem>>, %arg6: memref<8x128xi32, #tpu.memory_space<vmem>>, %arg7: memref<128x128xf32, #tpu.memory_space<vmem>>, %arg8: memref<128x128xf32, #tpu.memory_space<vmem>>, %arg9: memref<128x128xf32, #tpu.memory_space<vmem>>, %arg10: memref<128x128xf32, #tpu.memory_space<vmem>>, %arg11: memref<!tpu.dma_semaphore, #tpu.memory_space<semaphore_mem>>, %arg12: memref<!tpu.dma_semaphore, #tpu.memory_space<semaphore_mem>>, %arg13: memref<!tpu.dma_semaphore, #tpu.memory_space<semaphore_mem>>, %arg14: memref<!tpu.dma_semaphore, #tpu.memory_space<semaphore_mem>>, %arg15: memref<!tpu.dma_semaphore, #tpu.memory_space<semaphore_mem>>, %arg16: memref<!tpu.dma_semaphore, #tpu.memory_space<semaphore_mem>>, %arg17: memref<!tpu.dma_semaphore, #tpu.memory_space<semaphore_mem>>, %arg18: memref<!tpu.dma_semaphore, #tpu.memory_space<semaphore_mem>>, %arg19: memref<!tpu.dma_semaphore, #tpu.memory_space<semaphore_mem>>, %arg20: memref<!tpu.dma_semaphore, #tpu.memory_space<semaphore_mem>>) attributes {dimension_semantics = [#tpu.dimension_semantics<core_parallel>, #tpu.dimension_semantics<subcore_parallel>], iteration_bounds = array<i64: 2, 16>, scalar_prefetch = 0 : i64, scratch_operands = 16 : i64, tpu.core_type = #tpu.core_type<sc_vector_subcore>, window_params = [{transform_indices = #map}, {transform_indices = #map}, {transform_indices = #map}]} {
    %mul3A = arith.constant 2 : i32
    %mul3A_0 = arith.muli %arg1, %mul3A : i32
    %add3A = arith.addi %mul3A_0, %arg0 : i32
    %mul3A_1 = arith.constant 102400 : i32
    %mul3A_2 = arith.muli %add3A, %mul3A_1 : i32
    %mul3A_3 = arith.constant 800 : i32
    %mul3A_4 = arith.muli %add3A, %mul3A_3 : i32
    %add3A_5 = arith.constant 0 : i32
    %add3A_6 = arith.addi %mul3A_4, %add3A_5 : i32
    %dma_start3A = arith.constant 0 : i32
    %dma_start3A_7 = tpu.memref_slice %arg2[%add3A_6, %dma_start3A] : memref<25600x128xi32, #tpu.memory_space<hbm>> -> memref<8x128xi32, #tpu.memory_space<hbm>>
    %dma_start3A_8 = arith.constant 0 : i32
    %dma_start3A_9 = tpu.memref_slice %arg2[%add3A_6, %dma_start3A_8] : memref<25600x128xi32, #tpu.memory_space<hbm>> -> memref<8x128xi32, #tpu.memory_space<hbm>>
    tpu.enqueue_dma source(%dma_start3A_9 : memref<8x128xi32, #tpu.memory_space<hbm>>) target(%arg5 : memref<8x128xi32, #tpu.memory_space<vmem>>) target_semaphore(%arg11 : memref<!tpu.dma_semaphore, #tpu.memory_space<semaphore_mem>>)
    %scan3A = arith.constant 0 : i32
    %scan3A_10 = arith.constant 0 : i32
    %scan3A_11 = arith.constant 50 : i32
    %scan3A_12 = arith.addi %scan3A_10, %scan3A_11 : i32
    %scan3A_13 = arith.constant 1 : i32
    scf.for %scan3A_64 = %scan3A_10 to %scan3A_12 step %scan3A_13  : i32 {
      %mul3A_65 = arith.constant 2 : i32
      %mul3A_66 = arith.muli %mul3A_65, %scan3A_64 : i32
      %mul3A_67 = arith.constant 8 : i32
      %mul3A_68 = arith.muli %mul3A_66, %mul3A_67 : i32
      %add3A_69 = arith.addi %mul3A_4, %mul3A_68 : i32
      %dma_wait3A_70 = arith.constant 0 : i32
      %dma_wait3A_71 = tpu.memref_slice %arg2[%add3A_69, %dma_wait3A_70] : memref<25600x128xi32, #tpu.memory_space<hbm>> -> memref<8x128xi32, #tpu.memory_space<hbm>>
      %dma_wait3A_72 = arith.constant 0 : i32
      %dma_wait3A_73 = tpu.memref_slice %arg2[%add3A_69, %dma_wait3A_72] : memref<25600x128xi32, #tpu.memory_space<hbm>> -> memref<8x128xi32, #tpu.memory_space<hbm>>
      tpu.wait_dma2 semaphore(%arg11 : memref<!tpu.dma_semaphore, #tpu.memory_space<semaphore_mem>>) src(%dma_wait3A_73 : memref<8x128xi32, #tpu.memory_space<hbm>>) dst(%arg5 : memref<8x128xi32, #tpu.memory_space<vmem>>)
      %mul3A_74 = arith.constant 16 : i32
      %mul3A_75 = arith.muli %scan3A_64, %mul3A_74 : i32
      %add3A_76 = arith.constant 0 : i32
      %add3A_77 = arith.addi %mul3A_75, %add3A_76 : i32
      %ge3A = arith.constant 1 : i32
      %ge3A_78 = arith.cmpi sge, %scan3A_64, %ge3A : i32
      %convert_element_type3A = arith.extui %ge3A_78 : i1 to i32
      %cond3A = arith.constant 0 : i32
      %cond3A_79 = arith.cmpi ne, %convert_element_type3A, %cond3A : i32
      scf.if %cond3A_79 {
        %sub3A_634 = arith.constant 4 : i32
        %sub3A_635 = arith.subi %add3A_77, %sub3A_634 : i32
        %mul3A_636 = arith.constant 128 : i32
        %mul3A_637 = arith.muli %sub3A_635, %mul3A_636 : i32
        %add3A_638 = arith.addi %mul3A_2, %mul3A_637 : i32
        %dma_wait3A_639 = arith.constant 0 : i32
        %dma_wait3A_640 = tpu.memref_slice %arg4[%add3A_638, %dma_wait3A_639] : memref<3276800x128xf32, #tpu.memory_space<hbm>> -> memref<128x128xf32, #tpu.memory_space<hbm>>
        %dma_wait3A_641 = arith.constant 0 : i32
        %dma_wait3A_642 = tpu.memref_slice %arg4[%add3A_638, %dma_wait3A_641] : memref<3276800x128xf32, #tpu.memory_space<hbm>> -> memref<128x128xf32, #tpu.memory_space<hbm>>
        tpu.wait_dma2 semaphore(%arg17 : memref<!tpu.dma_semaphore, #tpu.memory_space<semaphore_mem>>) src(%arg7 : memref<128x128xf32, #tpu.memory_space<vmem>>) dst(%dma_wait3A_642 : memref<128x128xf32, #tpu.memory_space<hbm>>)
      } else {
      }
      %dma_start3A_80 = arith.constant 0 : i32
      %dma_start3A_81 = arith.constant 0 : i32
      %dma_start3A_82 = tpu.memref_slice %arg5[%dma_start3A_80, %dma_start3A_81] : memref<8x128xi32, #tpu.memory_space<vmem>> -> memref<1x128xi32, #tpu.memory_space<vmem>>
      %dma_start3A_83 = tpu.memref_squeeze %dma_start3A_82 : memref<1x128xi32, #tpu.memory_space<vmem>> -> memref<128xi32, #tpu.memory_space<vmem>>
      %dma_start3A_84 = arith.constant 0 : i32
      %dma_start3A_85 = arith.constant 0 : i32
      %dma_start3A_86 = tpu.memref_slice %arg3[%dma_start3A_84, %dma_start3A_85] : memref<1000000x128xf32, #tpu.memory_space<hbm>> -> memref<1000000x128xf32, #tpu.memory_space<hbm>>
      tpu.enqueue_indirect_dma source(%dma_start3A_86 : memref<1000000x128xf32, #tpu.memory_space<hbm>>) target(%arg7 : memref<128x128xf32, #tpu.memory_space<vmem>>) offsets(%dma_start3A_83 : memref<128xi32, #tpu.memory_space<vmem>>) semaphore(%arg13 : memref<!tpu.dma_semaphore, #tpu.memory_space<semaphore_mem>>)
      %ge3A_87 = arith.constant 1 : i32
      %ge3A_88 = arith.cmpi sge, %scan3A_64, %ge3A_87 : i32
      %convert_element_type3A_89 = arith.extui %ge3A_88 : i1 to i32
      %cond3A_90 = arith.constant 0 : i32
      %cond3A_91 = arith.cmpi ne, %convert_element_type3A_89, %cond3A_90 : i32
      scf.if %cond3A_91 {
        %sub3A_634 = arith.constant 2 : i32
        %sub3A_635 = arith.subi %add3A_77, %sub3A_634 : i32
        %dma_wait3A_636 = arith.constant 6 : i32
        %dma_wait3A_637 = arith.constant 0 : i32
        %dma_wait3A_638 = tpu.memref_slice %arg6[%dma_wait3A_636, %dma_wait3A_637] : memref<8x128xi32, #tpu.memory_space<vmem>> -> memref<1x128xi32, #tpu.memory_space<vmem>>
        %dma_wait3A_639 = tpu.memref_squeeze %dma_wait3A_638 : memref<1x128xi32, #tpu.memory_space<vmem>> -> memref<128xi32, #tpu.memory_space<vmem>>
        %dma_wait3A_640 = arith.constant 0 : i32
        %dma_wait3A_641 = arith.constant 0 : i32
        %dma_wait3A_642 = tpu.memref_slice %arg3[%dma_wait3A_640, %dma_wait3A_641] : memref<1000000x128xf32, #tpu.memory_space<hbm>> -> memref<1000000x128xf32, #tpu.memory_space<hbm>>
        tpu.wait_indirect_dma semaphore(%arg15 : memref<!tpu.dma_semaphore, #tpu.memory_space<semaphore_mem>>) src(%dma_wait3A_642 : memref<1000000x128xf32, #tpu.memory_space<hbm>>) dst(%arg9 : memref<128x128xf32, #tpu.memory_space<vmem>>)
        %mul3A_643 = arith.constant 128 : i32
        %mul3A_644 = arith.muli %sub3A_635, %mul3A_643 : i32
        %add3A_645 = arith.addi %mul3A_2, %mul3A_644 : i32
        %dma_start3A_646 = arith.constant 0 : i32
        %dma_start3A_647 = tpu.memref_slice %arg4[%add3A_645, %dma_start3A_646] : memref<3276800x128xf32, #tpu.memory_space<hbm>> -> memref<128x128xf32, #tpu.memory_space<hbm>>
        %dma_start3A_648 = arith.constant 0 : i32
        %dma_start3A_649 = tpu.memref_slice %arg4[%add3A_645, %dma_start3A_648] : memref<3276800x128xf32, #tpu.memory_space<hbm>> -> memref<128x128xf32, #tpu.memory_space<hbm>>
        tpu.enqueue_dma source(%arg9 : memref<128x128xf32, #tpu.memory_space<vmem>>) target(%dma_start3A_649 : memref<128x128xf32, #tpu.memory_space<hbm>>) target_semaphore(%arg19 : memref<!tpu.dma_semaphore, #tpu.memory_space<semaphore_mem>>)
      } else {
      }
      %mul3A_92 = arith.constant 16 : i32
      %mul3A_93 = arith.muli %scan3A_64, %mul3A_92 : i32
      %add3A_94 = arith.constant 1 : i32
      %add3A_95 = arith.addi %mul3A_93, %add3A_94 : i32
      %ge3A_96 = arith.constant 1 : i32
      %ge3A_97 = arith.cmpi sge, %scan3A_64, %ge3A_96 : i32
      %convert_element_type3A_98 = arith.extui %ge3A_97 : i1 to i32
      %cond3A_99 = arith.constant 0 : i32
      %cond3A_100 = arith.cmpi ne, %convert_element_type3A_98, %cond3A_99 : i32
      scf.if %cond3A_100 {
        %sub3A_634 = arith.constant 4 : i32
        %sub3A_635 = arith.subi %add3A_95, %sub3A_634 : i32
        %mul3A_636 = arith.constant 128 : i32
        %mul3A_637 = arith.muli %sub3A_635, %mul3A_636 : i32
        %add3A_638 = arith.addi %mul3A_2, %mul3A_637 : i32
        %dma_wait3A_639 = arith.constant 0 : i32
        %dma_wait3A_640 = tpu.memref_slice %arg4[%add3A_638, %dma_wait3A_639] : memref<3276800x128xf32, #tpu.memory_space<hbm>> -> memref<128x128xf32, #tpu.memory_space<hbm>>
        %dma_wait3A_641 = arith.constant 0 : i32
        %dma_wait3A_642 = tpu.memref_slice %arg4[%add3A_638, %dma_wait3A_641] : memref<3276800x128xf32, #tpu.memory_space<hbm>> -> memref<128x128xf32, #tpu.memory_space<hbm>>
        tpu.wait_dma2 semaphore(%arg18 : memref<!tpu.dma_semaphore, #tpu.memory_space<semaphore_mem>>) src(%arg8 : memref<128x128xf32, #tpu.memory_space<vmem>>) dst(%dma_wait3A_642 : memref<128x128xf32, #tpu.memory_space<hbm>>)
      } else {
      }
      %dma_start3A_101 = arith.constant 1 : i32
      %dma_start3A_102 = arith.constant 0 : i32
      %dma_start3A_103 = tpu.memref_slice %arg5[%dma_start3A_101, %dma_start3A_102] : memref<8x128xi32, #tpu.memory_space<vmem>> -> memref<1x128xi32, #tpu.memory_space<vmem>>
      %dma_start3A_104 = tpu.memref_squeeze %dma_start3A_103 : memref<1x128xi32, #tpu.memory_space<vmem>> -> memref<128xi32, #tpu.memory_space<vmem>>
      %dma_start3A_105 = arith.constant 0 : i32
      %dma_start3A_106 = arith.constant 0 : i32
      %dma_start3A_107 = tpu.memref_slice %arg3[%dma_start3A_105, %dma_start3A_106] : memref<1000000x128xf32, #tpu.memory_space<hbm>> -> memref<1000000x128xf32, #tpu.memory_space<hbm>>
      tpu.enqueue_indirect_dma source(%dma_start3A_107 : memref<1000000x128xf32, #tpu.memory_space<hbm>>) target(%arg8 : memref<128x128xf32, #tpu.memory_space<vmem>>) offsets(%dma_start3A_104 : memref<128xi32, #tpu.memory_space<vmem>>) semaphore(%arg14 : memref<!tpu.dma_semaphore, #tpu.memory_space<semaphore_mem>>)
      %ge3A_108 = arith.constant 1 : i32
      %ge3A_109 = arith.cmpi sge, %scan3A_64, %ge3A_108 : i32
      %convert_element_type3A_110 = arith.extui %ge3A_109 : i1 to i32
      %cond3A_111 = arith.constant 0 : i32
      %cond3A_112 = arith.cmpi ne, %convert_element_type3A_110, %cond3A_111 : i32
      scf.if %cond3A_112 {
        %sub3A_634 = arith.constant 2 : i32
        %sub3A_635 = arith.subi %add3A_95, %sub3A_634 : i32
        %dma_wait3A_636 = arith.constant 7 : i32
        %dma_wait3A_637 = arith.constant 0 : i32
        %dma_wait3A_638 = tpu.memref_slice %arg6[%dma_wait3A_636, %dma_wait3A_637] : memref<8x128xi32, #tpu.memory_space<vmem>> -> memref<1x128xi32, #tpu.memory_space<vmem>>
        %dma_wait3A_639 = tpu.memref_squeeze %dma_wait3A_638 : memref<1x128xi32, #tpu.memory_space<vmem>> -> memref<128xi32, #tpu.memory_space<vmem>>
        %dma_wait3A_640 = arith.constant 0 : i32
        %dma_wait3A_641 = arith.constant 0 : i32
        %dma_wait3A_642 = tpu.memref_slice %arg3[%dma_wait3A_640, %dma_wait3A_641] : memref<1000000x128xf32, #tpu.memory_space<hbm>> -> memref<1000000x128xf32, #tpu.memory_space<hbm>>
        tpu.wait_indirect_dma semaphore(%arg16 : memref<!tpu.dma_semaphore, #tpu.memory_space<semaphore_mem>>) src(%dma_wait3A_642 : memref<1000000x128xf32, #tpu.memory_space<hbm>>) dst(%arg10 : memref<128x128xf32, #tpu.memory_space<vmem>>)
        %mul3A_643 = arith.constant 128 : i32
        %mul3A_644 = arith.muli %sub3A_635, %mul3A_643 : i32
        %add3A_645 = arith.addi %mul3A_2, %mul3A_644 : i32
        %dma_start3A_646 = arith.constant 0 : i32
        %dma_start3A_647 = tpu.memref_slice %arg4[%add3A_645, %dma_start3A_646] : memref<3276800x128xf32, #tpu.memory_space<hbm>> -> memref<128x128xf32, #tpu.memory_space<hbm>>
        %dma_start3A_648 = arith.constant 0 : i32
        %dma_start3A_649 = tpu.memref_slice %arg4[%add3A_645, %dma_start3A_648] : memref<3276800x128xf32, #tpu.memory_space<hbm>> -> memref<128x128xf32, #tpu.memory_space<hbm>>
        tpu.enqueue_dma source(%arg10 : memref<128x128xf32, #tpu.memory_space<vmem>>) target(%dma_start3A_649 : memref<128x128xf32, #tpu.memory_space<hbm>>) target_semaphore(%arg20 : memref<!tpu.dma_semaphore, #tpu.memory_space<semaphore_mem>>)
      } else {
      }
      %mul3A_113 = arith.constant 2 : i32
      %mul3A_114 = arith.muli %mul3A_113, %scan3A_64 : i32
      %add3A_115 = arith.constant 1 : i32
      %add3A_116 = arith.addi %mul3A_114, %add3A_115 : i32
      %mul3A_117 = arith.constant 8 : i32
      %mul3A_118 = arith.muli %add3A_116, %mul3A_117 : i32
      %add3A_119 = arith.addi %mul3A_4, %mul3A_118 : i32
      %dma_start3A_120 = arith.constant 0 : i32
      %dma_start3A_121 = tpu.memref_slice %arg2[%add3A_119, %dma_start3A_120] : memref<25600x128xi32, #tpu.memory_space<hbm>> -> memref<8x128xi32, #tpu.memory_space<hbm>>
      %dma_start3A_122 = arith.constant 0 : i32
      %dma_start3A_123 = tpu.memref_slice %arg2[%add3A_119, %dma_start3A_122] : memref<25600x128xi32, #tpu.memory_space<hbm>> -> memref<8x128xi32, #tpu.memory_space<hbm>>
      tpu.enqueue_dma source(%dma_start3A_123 : memref<8x128xi32, #tpu.memory_space<hbm>>) target(%arg6 : memref<8x128xi32, #tpu.memory_space<vmem>>) target_semaphore(%arg12 : memref<!tpu.dma_semaphore, #tpu.memory_space<semaphore_mem>>)
      %mul3A_124 = arith.constant 16 : i32
      %mul3A_125 = arith.muli %scan3A_64, %mul3A_124 : i32
      %add3A_126 = arith.constant 2 : i32
      %add3A_127 = arith.addi %mul3A_125, %add3A_126 : i32
      %ge3A_128 = arith.constant 1 : i32
      %ge3A_129 = arith.cmpi sge, %scan3A_64, %ge3A_128 : i32
      %convert_element_type3A_130 = arith.extui %ge3A_129 : i1 to i32
      %cond3A_131 = arith.constant 0 : i32
      %cond3A_132 = arith.cmpi ne, %convert_element_type3A_130, %cond3A_131 : i32
      scf.if %cond3A_132 {
        %sub3A_634 = arith.constant 4 : i32
        %sub3A_635 = arith.subi %add3A_127, %sub3A_634 : i32
        %mul3A_636 = arith.constant 128 : i32
        %mul3A_637 = arith.muli %sub3A_635, %mul3A_636 : i32
        %add3A_638 = arith.addi %mul3A_2, %mul3A_637 : i32
        %dma_wait3A_639 = arith.constant 0 : i32
        %dma_wait3A_640 = tpu.memref_slice %arg4[%add3A_638, %dma_wait3A_639] : memref<3276800x128xf32, #tpu.memory_space<hbm>> -> memref<128x128xf32, #tpu.memory_space<hbm>>
        %dma_wait3A_641 = arith.constant 0 : i32
        %dma_wait3A_642 = tpu.memref_slice %arg4[%add3A_638, %dma_wait3A_641] : memref<3276800x128xf32, #tpu.memory_space<hbm>> -> memref<128x128xf32, #tpu.memory_space<hbm>>
        tpu.wait_dma2 semaphore(%arg19 : memref<!tpu.dma_semaphore, #tpu.memory_space<semaphore_mem>>) src(%arg9 : memref<128x128xf32, #tpu.memory_space<vmem>>) dst(%dma_wait3A_642 : memref<128x128xf32, #tpu.memory_space<hbm>>)
      } else {
      }
      %dma_start3A_133 = arith.constant 2 : i32
      %dma_start3A_134 = arith.constant 0 : i32
      %dma_start3A_135 = tpu.memref_slice %arg5[%dma_start3A_133, %dma_start3A_134] : memref<8x128xi32, #tpu.memory_space<vmem>> -> memref<1x128xi32, #tpu.memory_space<vmem>>
      %dma_start3A_136 = tpu.memref_squeeze %dma_start3A_135 : memref<1x128xi32, #tpu.memory_space<vmem>> -> memref<128xi32, #tpu.memory_space<vmem>>
      %dma_start3A_137 = arith.constant 0 : i32
      %dma_start3A_138 = arith.constant 0 : i32
      %dma_start3A_139 = tpu.memref_slice %arg3[%dma_start3A_137, %dma_start3A_138] : memref<1000000x128xf32, #tpu.memory_space<hbm>> -> memref<1000000x128xf32, #tpu.memory_space<hbm>>
      tpu.enqueue_indirect_dma source(%dma_start3A_139 : memref<1000000x128xf32, #tpu.memory_space<hbm>>) target(%arg9 : memref<128x128xf32, #tpu.memory_space<vmem>>) offsets(%dma_start3A_136 : memref<128xi32, #tpu.memory_space<vmem>>) semaphore(%arg15 : memref<!tpu.dma_semaphore, #tpu.memory_space<semaphore_mem>>)
      %sub3A = arith.constant 2 : i32
      %sub3A_140 = arith.subi %add3A_127, %sub3A : i32
      %dma_wait3A_141 = arith.constant 0 : i32
      %dma_wait3A_142 = arith.constant 0 : i32
      %dma_wait3A_143 = tpu.memref_slice %arg5[%dma_wait3A_141, %dma_wait3A_142] : memref<8x128xi32, #tpu.memory_space<vmem>> -> memref<1x128xi32, #tpu.memory_space<vmem>>
      %dma_wait3A_144 = tpu.memref_squeeze %dma_wait3A_143 : memref<1x128xi32, #tpu.memory_space<vmem>> -> memref<128xi32, #tpu.memory_space<vmem>>
      %dma_wait3A_145 = arith.constant 0 : i32
      %dma_wait3A_146 = arith.constant 0 : i32
      %dma_wait3A_147 = tpu.memref_slice %arg3[%dma_wait3A_145, %dma_wait3A_146] : memref<1000000x128xf32, #tpu.memory_space<hbm>> -> memref<1000000x128xf32, #tpu.memory_space<hbm>>
      tpu.wait_indirect_dma semaphore(%arg13 : memref<!tpu.dma_semaphore, #tpu.memory_space<semaphore_mem>>) src(%dma_wait3A_147 : memref<1000000x128xf32, #tpu.memory_space<hbm>>) dst(%arg7 : memref<128x128xf32, #tpu.memory_space<vmem>>)
      %mul3A_148 = arith.constant 128 : i32
      %mul3A_149 = arith.muli %sub3A_140, %mul3A_148 : i32
      %add3A_150 = arith.addi %mul3A_2, %mul3A_149 : i32
      %dma_start3A_151 = arith.constant 0 : i32
      %dma_start3A_152 = tpu.memref_slice %arg4[%add3A_150, %dma_start3A_151] : memref<3276800x128xf32, #tpu.memory_space<hbm>> -> memref<128x128xf32, #tpu.memory_space<hbm>>
      %dma_start3A_153 = arith.constant 0 : i32
      %dma_start3A_154 = tpu.memref_slice %arg4[%add3A_150, %dma_start3A_153] : memref<3276800x128xf32, #tpu.memory_space<hbm>> -> memref<128x128xf32, #tpu.memory_space<hbm>>
      tpu.enqueue_dma source(%arg7 : memref<128x128xf32, #tpu.memory_space<vmem>>) target(%dma_start3A_154 : memref<128x128xf32, #tpu.memory_space<hbm>>) target_semaphore(%arg17 : memref<!tpu.dma_semaphore, #tpu.memory_space<semaphore_mem>>)
      %mul3A_155 = arith.constant 16 : i32
      %mul3A_156 = arith.muli %scan3A_64, %mul3A_155 : i32
      %add3A_157 = arith.constant 3 : i32
      %add3A_158 = arith.addi %mul3A_156, %add3A_157 : i32
      %ge3A_159 = arith.constant 1 : i32
      %ge3A_160 = arith.cmpi sge, %scan3A_64, %ge3A_159 : i32
      %convert_element_type3A_161 = arith.extui %ge3A_160 : i1 to i32
      %cond3A_162 = arith.constant 0 : i32
      %cond3A_163 = arith.cmpi ne, %convert_element_type3A_161, %cond3A_162 : i32
      scf.if %cond3A_163 {
        %sub3A_634 = arith.constant 4 : i32
        %sub3A_635 = arith.subi %add3A_158, %sub3A_634 : i32
        %mul3A_636 = arith.constant 128 : i32
        %mul3A_637 = arith.muli %sub3A_635, %mul3A_636 : i32
        %add3A_638 = arith.addi %mul3A_2, %mul3A_637 : i32
        %dma_wait3A_639 = arith.constant 0 : i32
        %dma_wait3A_640 = tpu.memref_slice %arg4[%add3A_638, %dma_wait3A_639] : memref<3276800x128xf32, #tpu.memory_space<hbm>> -> memref<128x128xf32, #tpu.memory_space<hbm>>
        %dma_wait3A_641 = arith.constant 0 : i32
        %dma_wait3A_642 = tpu.memref_slice %arg4[%add3A_638, %dma_wait3A_641] : memref<3276800x128xf32, #tpu.memory_space<hbm>> -> memref<128x128xf32, #tpu.memory_space<hbm>>
        tpu.wait_dma2 semaphore(%arg20 : memref<!tpu.dma_semaphore, #tpu.memory_space<semaphore_mem>>) src(%arg10 : memref<128x128xf32, #tpu.memory_space<vmem>>) dst(%dma_wait3A_642 : memref<128x128xf32, #tpu.memory_space<hbm>>)
      } else {
      }
      %dma_start3A_164 = arith.constant 3 : i32
      %dma_start3A_165 = arith.constant 0 : i32
      %dma_start3A_166 = tpu.memref_slice %arg5[%dma_start3A_164, %dma_start3A_165] : memref<8x128xi32, #tpu.memory_space<vmem>> -> memref<1x128xi32, #tpu.memory_space<vmem>>
      %dma_start3A_167 = tpu.memref_squeeze %dma_start3A_166 : memref<1x128xi32, #tpu.memory_space<vmem>> -> memref<128xi32, #tpu.memory_space<vmem>>
      %dma_start3A_168 = arith.constant 0 : i32
      %dma_start3A_169 = arith.constant 0 : i32
      %dma_start3A_170 = tpu.memref_slice %arg3[%dma_start3A_168, %dma_start3A_169] : memref<1000000x128xf32, #tpu.memory_space<hbm>> -> memref<1000000x128xf32, #tpu.memory_space<hbm>>
      tpu.enqueue_indirect_dma source(%dma_start3A_170 : memref<1000000x128xf32, #tpu.memory_space<hbm>>) target(%arg10 : memref<128x128xf32, #tpu.memory_space<vmem>>) offsets(%dma_start3A_167 : memref<128xi32, #tpu.memory_space<vmem>>) semaphore(%arg16 : memref<!tpu.dma_semaphore, #tpu.memory_space<semaphore_mem>>)
      %sub3A_171 = arith.constant 2 : i32
      %sub3A_172 = arith.subi %add3A_158, %sub3A_171 : i32
      %dma_wait3A_173 = arith.constant 1 : i32
      %dma_wait3A_174 = arith.constant 0 : i32
      %dma_wait3A_175 = tpu.memref_slice %arg5[%dma_wait3A_173, %dma_wait3A_174] : memref<8x128xi32, #tpu.memory_space<vmem>> -> memref<1x128xi32, #tpu.memory_space<vmem>>
      %dma_wait3A_176 = tpu.memref_squeeze %dma_wait3A_175 : memref<1x128xi32, #tpu.memory_space<vmem>> -> memref<128xi32, #tpu.memory_space<vmem>>
      %dma_wait3A_177 = arith.constant 0 : i32
      %dma_wait3A_178 = arith.constant 0 : i32
      %dma_wait3A_179 = tpu.memref_slice %arg3[%dma_wait3A_177, %dma_wait3A_178] : memref<1000000x128xf32, #tpu.memory_space<hbm>> -> memref<1000000x128xf32, #tpu.memory_space<hbm>>
      tpu.wait_indirect_dma semaphore(%arg14 : memref<!tpu.dma_semaphore, #tpu.memory_space<semaphore_mem>>) src(%dma_wait3A_179 : memref<1000000x128xf32, #tpu.memory_space<hbm>>) dst(%arg8 : memref<128x128xf32, #tpu.memory_space<vmem>>)
      %mul3A_180 = arith.constant 128 : i32
      %mul3A_181 = arith.muli %sub3A_172, %mul3A_180 : i32
      %add3A_182 = arith.addi %mul3A_2, %mul3A_181 : i32
      %dma_start3A_183 = arith.constant 0 : i32
      %dma_start3A_184 = tpu.memref_slice %arg4[%add3A_182, %dma_start3A_183] : memref<3276800x128xf32, #tpu.memory_space<hbm>> -> memref<128x128xf32, #tpu.memory_space<hbm>>
      %dma_start3A_185 = arith.constant 0 : i32
      %dma_start3A_186 = tpu.memref_slice %arg4[%add3A_182, %dma_start3A_185] : memref<3276800x128xf32, #tpu.memory_space<hbm>> -> memref<128x128xf32, #tpu.memory_space<hbm>>
      tpu.enqueue_dma source(%arg8 : memref<128x128xf32, #tpu.memory_space<vmem>>) target(%dma_start3A_186 : memref<128x128xf32, #tpu.memory_space<hbm>>) target_semaphore(%arg18 : memref<!tpu.dma_semaphore, #tpu.memory_space<semaphore_mem>>)
      %mul3A_187 = arith.constant 16 : i32
      %mul3A_188 = arith.muli %scan3A_64, %mul3A_187 : i32
      %add3A_189 = arith.constant 4 : i32
      %add3A_190 = arith.addi %mul3A_188, %add3A_189 : i32
      %sub3A_191 = arith.constant 4 : i32
      %sub3A_192 = arith.subi %add3A_190, %sub3A_191 : i32
      %mul3A_193 = arith.constant 128 : i32
      %mul3A_194 = arith.muli %sub3A_192, %mul3A_193 : i32
      %add3A_195 = arith.addi %mul3A_2, %mul3A_194 : i32
      %dma_wait3A_196 = arith.constant 0 : i32
      %dma_wait3A_197 = tpu.memref_slice %arg4[%add3A_195, %dma_wait3A_196] : memref<3276800x128xf32, #tpu.memory_space<hbm>> -> memref<128x128xf32, #tpu.memory_space<hbm>>
      %dma_wait3A_198 = arith.constant 0 : i32
      %dma_wait3A_199 = tpu.memref_slice %arg4[%add3A_195, %dma_wait3A_198] : memref<3276800x128xf32, #tpu.memory_space<hbm>> -> memref<128x128xf32, #tpu.memory_space<hbm>>
      tpu.wait_dma2 semaphore(%arg17 : memref<!tpu.dma_semaphore, #tpu.memory_space<semaphore_mem>>) src(%arg7 : memref<128x128xf32, #tpu.memory_space<vmem>>) dst(%dma_wait3A_199 : memref<128x128xf32, #tpu.memory_space<hbm>>)
      %dma_start3A_200 = arith.constant 4 : i32
      %dma_start3A_201 = arith.constant 0 : i32
      %dma_start3A_202 = tpu.memref_slice %arg5[%dma_start3A_200, %dma_start3A_201] : memref<8x128xi32, #tpu.memory_space<vmem>> -> memref<1x128xi32, #tpu.memory_space<vmem>>
      %dma_start3A_203 = tpu.memref_squeeze %dma_start3A_202 : memref<1x128xi32, #tpu.memory_space<vmem>> -> memref<128xi32, #tpu.memory_space<vmem>>
      %dma_start3A_204 = arith.constant 0 : i32
      %dma_start3A_205 = arith.constant 0 : i32
      %dma_start3A_206 = tpu.memref_slice %arg3[%dma_start3A_204, %dma_start3A_205] : memref<1000000x128xf32, #tpu.memory_space<hbm>> -> memref<1000000x128xf32, #tpu.memory_space<hbm>>
      tpu.enqueue_indirect_dma source(%dma_start3A_206 : memref<1000000x128xf32, #tpu.memory_space<hbm>>) target(%arg7 : memref<128x128xf32, #tpu.memory_space<vmem>>) offsets(%dma_start3A_203 : memref<128xi32, #tpu.memory_space<vmem>>) semaphore(%arg13 : memref<!tpu.dma_semaphore, #tpu.memory_space<semaphore_mem>>)
      %sub3A_207 = arith.constant 2 : i32
      %sub3A_208 = arith.subi %add3A_190, %sub3A_207 : i32
      %dma_wait3A_209 = arith.constant 2 : i32
      %dma_wait3A_210 = arith.constant 0 : i32
      %dma_wait3A_211 = tpu.memref_slice %arg5[%dma_wait3A_209, %dma_wait3A_210] : memref<8x128xi32, #tpu.memory_space<vmem>> -> memref<1x128xi32, #tpu.memory_space<vmem>>
      %dma_wait3A_212 = tpu.memref_squeeze %dma_wait3A_211 : memref<1x128xi32, #tpu.memory_space<vmem>> -> memref<128xi32, #tpu.memory_space<vmem>>
      %dma_wait3A_213 = arith.constant 0 : i32
      %dma_wait3A_214 = arith.constant 0 : i32
      %dma_wait3A_215 = tpu.memref_slice %arg3[%dma_wait3A_213, %dma_wait3A_214] : memref<1000000x128xf32, #tpu.memory_space<hbm>> -> memref<1000000x128xf32, #tpu.memory_space<hbm>>
      tpu.wait_indirect_dma semaphore(%arg15 : memref<!tpu.dma_semaphore, #tpu.memory_space<semaphore_mem>>) src(%dma_wait3A_215 : memref<1000000x128xf32, #tpu.memory_space<hbm>>) dst(%arg9 : memref<128x128xf32, #tpu.memory_space<vmem>>)
      %mul3A_216 = arith.constant 128 : i32
      %mul3A_217 = arith.muli %sub3A_208, %mul3A_216 : i32
      %add3A_218 = arith.addi %mul3A_2, %mul3A_217 : i32
      %dma_start3A_219 = arith.constant 0 : i32
      %dma_start3A_220 = tpu.memref_slice %arg4[%add3A_218, %dma_start3A_219] : memref<3276800x128xf32, #tpu.memory_space<hbm>> -> memref<128x128xf32, #tpu.memory_space<hbm>>
      %dma_start3A_221 = arith.constant 0 : i32
      %dma_start3A_222 = tpu.memref_slice %arg4[%add3A_218, %dma_start3A_221] : memref<3276800x128xf32, #tpu.memory_space<hbm>> -> memref<128x128xf32, #tpu.memory_space<hbm>>
      tpu.enqueue_dma source(%arg9 : memref<128x128xf32, #tpu.memory_space<vmem>>) target(%dma_start3A_222 : memref<128x128xf32, #tpu.memory_space<hbm>>) target_semaphore(%arg19 : memref<!tpu.dma_semaphore, #tpu.memory_space<semaphore_mem>>)
      %mul3A_223 = arith.constant 16 : i32
      %mul3A_224 = arith.muli %scan3A_64, %mul3A_223 : i32
      %add3A_225 = arith.constant 5 : i32
      %add3A_226 = arith.addi %mul3A_224, %add3A_225 : i32
      %sub3A_227 = arith.constant 4 : i32
      %sub3A_228 = arith.subi %add3A_226, %sub3A_227 : i32
      %mul3A_229 = arith.constant 128 : i32
      %mul3A_230 = arith.muli %sub3A_228, %mul3A_229 : i32
      %add3A_231 = arith.addi %mul3A_2, %mul3A_230 : i32
      %dma_wait3A_232 = arith.constant 0 : i32
      %dma_wait3A_233 = tpu.memref_slice %arg4[%add3A_231, %dma_wait3A_232] : memref<3276800x128xf32, #tpu.memory_space<hbm>> -> memref<128x128xf32, #tpu.memory_space<hbm>>
      %dma_wait3A_234 = arith.constant 0 : i32
      %dma_wait3A_235 = tpu.memref_slice %arg4[%add3A_231, %dma_wait3A_234] : memref<3276800x128xf32, #tpu.memory_space<hbm>> -> memref<128x128xf32, #tpu.memory_space<hbm>>
      tpu.wait_dma2 semaphore(%arg18 : memref<!tpu.dma_semaphore, #tpu.memory_space<semaphore_mem>>) src(%arg8 : memref<128x128xf32, #tpu.memory_space<vmem>>) dst(%dma_wait3A_235 : memref<128x128xf32, #tpu.memory_space<hbm>>)
      %dma_start3A_236 = arith.constant 5 : i32
      %dma_start3A_237 = arith.constant 0 : i32
      %dma_start3A_238 = tpu.memref_slice %arg5[%dma_start3A_236, %dma_start3A_237] : memref<8x128xi32, #tpu.memory_space<vmem>> -> memref<1x128xi32, #tpu.memory_space<vmem>>
      %dma_start3A_239 = tpu.memref_squeeze %dma_start3A_238 : memref<1x128xi32, #tpu.memory_space<vmem>> -> memref<128xi32, #tpu.memory_space<vmem>>
      %dma_start3A_240 = arith.constant 0 : i32
      %dma_start3A_241 = arith.constant 0 : i32
      %dma_start3A_242 = tpu.memref_slice %arg3[%dma_start3A_240, %dma_start3A_241] : memref<1000000x128xf32, #tpu.memory_space<hbm>> -> memref<1000000x128xf32, #tpu.memory_space<hbm>>
      tpu.enqueue_indirect_dma source(%dma_start3A_242 : memref<1000000x128xf32, #tpu.memory_space<hbm>>) target(%arg8 : memref<128x128xf32, #tpu.memory_space<vmem>>) offsets(%dma_start3A_239 : memref<128xi32, #tpu.memory_space<vmem>>) semaphore(%arg14 : memref<!tpu.dma_semaphore, #tpu.memory_space<semaphore_mem>>)
      %sub3A_243 = arith.constant 2 : i32
      %sub3A_244 = arith.subi %add3A_226, %sub3A_243 : i32
      %dma_wait3A_245 = arith.constant 3 : i32
      %dma_wait3A_246 = arith.constant 0 : i32
      %dma_wait3A_247 = tpu.memref_slice %arg5[%dma_wait3A_245, %dma_wait3A_246] : memref<8x128xi32, #tpu.memory_space<vmem>> -> memref<1x128xi32, #tpu.memory_space<vmem>>
      %dma_wait3A_248 = tpu.memref_squeeze %dma_wait3A_247 : memref<1x128xi32, #tpu.memory_space<vmem>> -> memref<128xi32, #tpu.memory_space<vmem>>
      %dma_wait3A_249 = arith.constant 0 : i32
      %dma_wait3A_250 = arith.constant 0 : i32
      %dma_wait3A_251 = tpu.memref_slice %arg3[%dma_wait3A_249, %dma_wait3A_250] : memref<1000000x128xf32, #tpu.memory_space<hbm>> -> memref<1000000x128xf32, #tpu.memory_space<hbm>>
      tpu.wait_indirect_dma semaphore(%arg16 : memref<!tpu.dma_semaphore, #tpu.memory_space<semaphore_mem>>) src(%dma_wait3A_251 : memref<1000000x128xf32, #tpu.memory_space<hbm>>) dst(%arg10 : memref<128x128xf32, #tpu.memory_space<vmem>>)
      %mul3A_252 = arith.constant 128 : i32
      %mul3A_253 = arith.muli %sub3A_244, %mul3A_252 : i32
      %add3A_254 = arith.addi %mul3A_2, %mul3A_253 : i32
      %dma_start3A_255 = arith.constant 0 : i32
      %dma_start3A_256 = tpu.memref_slice %arg4[%add3A_254, %dma_start3A_255] : memref<3276800x128xf32, #tpu.memory_space<hbm>> -> memref<128x128xf32, #tpu.memory_space<hbm>>
      %dma_start3A_257 = arith.constant 0 : i32
      %dma_start3A_258 = tpu.memref_slice %arg4[%add3A_254, %dma_start3A_257] : memref<3276800x128xf32, #tpu.memory_space<hbm>> -> memref<128x128xf32, #tpu.memory_space<hbm>>
      tpu.enqueue_dma source(%arg10 : memref<128x128xf32, #tpu.memory_space<vmem>>) target(%dma_start3A_258 : memref<128x128xf32, #tpu.memory_space<hbm>>) target_semaphore(%arg20 : memref<!tpu.dma_semaphore, #tpu.memory_space<semaphore_mem>>)
      %mul3A_259 = arith.constant 16 : i32
      %mul3A_260 = arith.muli %scan3A_64, %mul3A_259 : i32
      %add3A_261 = arith.constant 6 : i32
      %add3A_262 = arith.addi %mul3A_260, %add3A_261 : i32
      %sub3A_263 = arith.constant 4 : i32
      %sub3A_264 = arith.subi %add3A_262, %sub3A_263 : i32
      %mul3A_265 = arith.constant 128 : i32
      %mul3A_266 = arith.muli %sub3A_264, %mul3A_265 : i32
      %add3A_267 = arith.addi %mul3A_2, %mul3A_266 : i32
      %dma_wait3A_268 = arith.constant 0 : i32
      %dma_wait3A_269 = tpu.memref_slice %arg4[%add3A_267, %dma_wait3A_268] : memref<3276800x128xf32, #tpu.memory_space<hbm>> -> memref<128x128xf32, #tpu.memory_space<hbm>>
      %dma_wait3A_270 = arith.constant 0 : i32
      %dma_wait3A_271 = tpu.memref_slice %arg4[%add3A_267, %dma_wait3A_270] : memref<3276800x128xf32, #tpu.memory_space<hbm>> -> memref<128x128xf32, #tpu.memory_space<hbm>>
      tpu.wait_dma2 semaphore(%arg19 : memref<!tpu.dma_semaphore, #tpu.memory_space<semaphore_mem>>) src(%arg9 : memref<128x128xf32, #tpu.memory_space<vmem>>) dst(%dma_wait3A_271 : memref<128x128xf32, #tpu.memory_space<hbm>>)
      %dma_start3A_272 = arith.constant 6 : i32
      %dma_start3A_273 = arith.constant 0 : i32
      %dma_start3A_274 = tpu.memref_slice %arg5[%dma_start3A_272, %dma_start3A_273] : memref<8x128xi32, #tpu.memory_space<vmem>> -> memref<1x128xi32, #tpu.memory_space<vmem>>
      %dma_start3A_275 = tpu.memref_squeeze %dma_start3A_274 : memref<1x128xi32, #tpu.memory_space<vmem>> -> memref<128xi32, #tpu.memory_space<vmem>>
      %dma_start3A_276 = arith.constant 0 : i32
      %dma_start3A_277 = arith.constant 0 : i32
      %dma_start3A_278 = tpu.memref_slice %arg3[%dma_start3A_276, %dma_start3A_277] : memref<1000000x128xf32, #tpu.memory_space<hbm>> -> memref<1000000x128xf32, #tpu.memory_space<hbm>>
      tpu.enqueue_indirect_dma source(%dma_start3A_278 : memref<1000000x128xf32, #tpu.memory_space<hbm>>) target(%arg9 : memref<128x128xf32, #tpu.memory_space<vmem>>) offsets(%dma_start3A_275 : memref<128xi32, #tpu.memory_space<vmem>>) semaphore(%arg15 : memref<!tpu.dma_semaphore, #tpu.memory_space<semaphore_mem>>)
      %sub3A_279 = arith.constant 2 : i32
      %sub3A_280 = arith.subi %add3A_262, %sub3A_279 : i32
      %dma_wait3A_281 = arith.constant 4 : i32
      %dma_wait3A_282 = arith.constant 0 : i32
      %dma_wait3A_283 = tpu.memref_slice %arg5[%dma_wait3A_281, %dma_wait3A_282] : memref<8x128xi32, #tpu.memory_space<vmem>> -> memref<1x128xi32, #tpu.memory_space<vmem>>
      %dma_wait3A_284 = tpu.memref_squeeze %dma_wait3A_283 : memref<1x128xi32, #tpu.memory_space<vmem>> -> memref<128xi32, #tpu.memory_space<vmem>>
      %dma_wait3A_285 = arith.constant 0 : i32
      %dma_wait3A_286 = arith.constant 0 : i32
      %dma_wait3A_287 = tpu.memref_slice %arg3[%dma_wait3A_285, %dma_wait3A_286] : memref<1000000x128xf32, #tpu.memory_space<hbm>> -> memref<1000000x128xf32, #tpu.memory_space<hbm>>
      tpu.wait_indirect_dma semaphore(%arg13 : memref<!tpu.dma_semaphore, #tpu.memory_space<semaphore_mem>>) src(%dma_wait3A_287 : memref<1000000x128xf32, #tpu.memory_space<hbm>>) dst(%arg7 : memref<128x128xf32, #tpu.memory_space<vmem>>)
      %mul3A_288 = arith.constant 128 : i32
      %mul3A_289 = arith.muli %sub3A_280, %mul3A_288 : i32
      %add3A_290 = arith.addi %mul3A_2, %mul3A_289 : i32
      %dma_start3A_291 = arith.constant 0 : i32
      %dma_start3A_292 = tpu.memref_slice %arg4[%add3A_290, %dma_start3A_291] : memref<3276800x128xf32, #tpu.memory_space<hbm>> -> memref<128x128xf32, #tpu.memory_space<hbm>>
      %dma_start3A_293 = arith.constant 0 : i32
      %dma_start3A_294 = tpu.memref_slice %arg4[%add3A_290, %dma_start3A_293] : memref<3276800x128xf32, #tpu.memory_space<hbm>> -> memref<128x128xf32, #tpu.memory_space<hbm>>
      tpu.enqueue_dma source(%arg7 : memref<128x128xf32, #tpu.memory_space<vmem>>) target(%dma_start3A_294 : memref<128x128xf32, #tpu.memory_space<hbm>>) target_semaphore(%arg17 : memref<!tpu.dma_semaphore, #tpu.memory_space<semaphore_mem>>)
      %mul3A_295 = arith.constant 16 : i32
      %mul3A_296 = arith.muli %scan3A_64, %mul3A_295 : i32
      %add3A_297 = arith.constant 7 : i32
      %add3A_298 = arith.addi %mul3A_296, %add3A_297 : i32
      %sub3A_299 = arith.constant 4 : i32
      %sub3A_300 = arith.subi %add3A_298, %sub3A_299 : i32
      %mul3A_301 = arith.constant 128 : i32
      %mul3A_302 = arith.muli %sub3A_300, %mul3A_301 : i32
      %add3A_303 = arith.addi %mul3A_2, %mul3A_302 : i32
      %dma_wait3A_304 = arith.constant 0 : i32
      %dma_wait3A_305 = tpu.memref_slice %arg4[%add3A_303, %dma_wait3A_304] : memref<3276800x128xf32, #tpu.memory_space<hbm>> -> memref<128x128xf32, #tpu.memory_space<hbm>>
      %dma_wait3A_306 = arith.constant 0 : i32
      %dma_wait3A_307 = tpu.memref_slice %arg4[%add3A_303, %dma_wait3A_306] : memref<3276800x128xf32, #tpu.memory_space<hbm>> -> memref<128x128xf32, #tpu.memory_space<hbm>>
      tpu.wait_dma2 semaphore(%arg20 : memref<!tpu.dma_semaphore, #tpu.memory_space<semaphore_mem>>) src(%arg10 : memref<128x128xf32, #tpu.memory_space<vmem>>) dst(%dma_wait3A_307 : memref<128x128xf32, #tpu.memory_space<hbm>>)
      %dma_start3A_308 = arith.constant 7 : i32
      %dma_start3A_309 = arith.constant 0 : i32
      %dma_start3A_310 = tpu.memref_slice %arg5[%dma_start3A_308, %dma_start3A_309] : memref<8x128xi32, #tpu.memory_space<vmem>> -> memref<1x128xi32, #tpu.memory_space<vmem>>
      %dma_start3A_311 = tpu.memref_squeeze %dma_start3A_310 : memref<1x128xi32, #tpu.memory_space<vmem>> -> memref<128xi32, #tpu.memory_space<vmem>>
      %dma_start3A_312 = arith.constant 0 : i32
      %dma_start3A_313 = arith.constant 0 : i32
      %dma_start3A_314 = tpu.memref_slice %arg3[%dma_start3A_312, %dma_start3A_313] : memref<1000000x128xf32, #tpu.memory_space<hbm>> -> memref<1000000x128xf32, #tpu.memory_space<hbm>>
      tpu.enqueue_indirect_dma source(%dma_start3A_314 : memref<1000000x128xf32, #tpu.memory_space<hbm>>) target(%arg10 : memref<128x128xf32, #tpu.memory_space<vmem>>) offsets(%dma_start3A_311 : memref<128xi32, #tpu.memory_space<vmem>>) semaphore(%arg16 : memref<!tpu.dma_semaphore, #tpu.memory_space<semaphore_mem>>)
      %sub3A_315 = arith.constant 2 : i32
      %sub3A_316 = arith.subi %add3A_298, %sub3A_315 : i32
      %dma_wait3A_317 = arith.constant 5 : i32
      %dma_wait3A_318 = arith.constant 0 : i32
      %dma_wait3A_319 = tpu.memref_slice %arg5[%dma_wait3A_317, %dma_wait3A_318] : memref<8x128xi32, #tpu.memory_space<vmem>> -> memref<1x128xi32, #tpu.memory_space<vmem>>
      %dma_wait3A_320 = tpu.memref_squeeze %dma_wait3A_319 : memref<1x128xi32, #tpu.memory_space<vmem>> -> memref<128xi32, #tpu.memory_space<vmem>>
      %dma_wait3A_321 = arith.constant 0 : i32
      %dma_wait3A_322 = arith.constant 0 : i32
      %dma_wait3A_323 = tpu.memref_slice %arg3[%dma_wait3A_321, %dma_wait3A_322] : memref<1000000x128xf32, #tpu.memory_space<hbm>> -> memref<1000000x128xf32, #tpu.memory_space<hbm>>
      tpu.wait_indirect_dma semaphore(%arg14 : memref<!tpu.dma_semaphore, #tpu.memory_space<semaphore_mem>>) src(%dma_wait3A_323 : memref<1000000x128xf32, #tpu.memory_space<hbm>>) dst(%arg8 : memref<128x128xf32, #tpu.memory_space<vmem>>)
      %mul3A_324 = arith.constant 128 : i32
      %mul3A_325 = arith.muli %sub3A_316, %mul3A_324 : i32
      %add3A_326 = arith.addi %mul3A_2, %mul3A_325 : i32
      %dma_start3A_327 = arith.constant 0 : i32
      %dma_start3A_328 = tpu.memref_slice %arg4[%add3A_326, %dma_start3A_327] : memref<3276800x128xf32, #tpu.memory_space<hbm>> -> memref<128x128xf32, #tpu.memory_space<hbm>>
      %dma_start3A_329 = arith.constant 0 : i32
      %dma_start3A_330 = tpu.memref_slice %arg4[%add3A_326, %dma_start3A_329] : memref<3276800x128xf32, #tpu.memory_space<hbm>> -> memref<128x128xf32, #tpu.memory_space<hbm>>
      tpu.enqueue_dma source(%arg8 : memref<128x128xf32, #tpu.memory_space<vmem>>) target(%dma_start3A_330 : memref<128x128xf32, #tpu.memory_space<hbm>>) target_semaphore(%arg18 : memref<!tpu.dma_semaphore, #tpu.memory_space<semaphore_mem>>)
      %mul3A_331 = arith.constant 2 : i32
      %mul3A_332 = arith.muli %mul3A_331, %scan3A_64 : i32
      %add3A_333 = arith.constant 1 : i32
      %add3A_334 = arith.addi %mul3A_332, %add3A_333 : i32
      %mul3A_335 = arith.constant 8 : i32
      %mul3A_336 = arith.muli %add3A_334, %mul3A_335 : i32
      %add3A_337 = arith.addi %mul3A_4, %mul3A_336 : i32
      %dma_wait3A_338 = arith.constant 0 : i32
      %dma_wait3A_339 = tpu.memref_slice %arg2[%add3A_337, %dma_wait3A_338] : memref<25600x128xi32, #tpu.memory_space<hbm>> -> memref<8x128xi32, #tpu.memory_space<hbm>>
      %dma_wait3A_340 = arith.constant 0 : i32
      %dma_wait3A_341 = tpu.memref_slice %arg2[%add3A_337, %dma_wait3A_340] : memref<25600x128xi32, #tpu.memory_space<hbm>> -> memref<8x128xi32, #tpu.memory_space<hbm>>
      tpu.wait_dma2 semaphore(%arg12 : memref<!tpu.dma_semaphore, #tpu.memory_space<semaphore_mem>>) src(%dma_wait3A_341 : memref<8x128xi32, #tpu.memory_space<hbm>>) dst(%arg6 : memref<8x128xi32, #tpu.memory_space<vmem>>)
      %mul3A_342 = arith.constant 16 : i32
      %mul3A_343 = arith.muli %scan3A_64, %mul3A_342 : i32
      %add3A_344 = arith.constant 8 : i32
      %add3A_345 = arith.addi %mul3A_343, %add3A_344 : i32
      %sub3A_346 = arith.constant 4 : i32
      %sub3A_347 = arith.subi %add3A_345, %sub3A_346 : i32
      %mul3A_348 = arith.constant 128 : i32
      %mul3A_349 = arith.muli %sub3A_347, %mul3A_348 : i32
      %add3A_350 = arith.addi %mul3A_2, %mul3A_349 : i32
      %dma_wait3A_351 = arith.constant 0 : i32
      %dma_wait3A_352 = tpu.memref_slice %arg4[%add3A_350, %dma_wait3A_351] : memref<3276800x128xf32, #tpu.memory_space<hbm>> -> memref<128x128xf32, #tpu.memory_space<hbm>>
      %dma_wait3A_353 = arith.constant 0 : i32
      %dma_wait3A_354 = tpu.memref_slice %arg4[%add3A_350, %dma_wait3A_353] : memref<3276800x128xf32, #tpu.memory_space<hbm>> -> memref<128x128xf32, #tpu.memory_space<hbm>>
      tpu.wait_dma2 semaphore(%arg17 : memref<!tpu.dma_semaphore, #tpu.memory_space<semaphore_mem>>) src(%arg7 : memref<128x128xf32, #tpu.memory_space<vmem>>) dst(%dma_wait3A_354 : memref<128x128xf32, #tpu.memory_space<hbm>>)
      %dma_start3A_355 = arith.constant 0 : i32
      %dma_start3A_356 = arith.constant 0 : i32
      %dma_start3A_357 = tpu.memref_slice %arg6[%dma_start3A_355, %dma_start3A_356] : memref<8x128xi32, #tpu.memory_space<vmem>> -> memref<1x128xi32, #tpu.memory_space<vmem>>
      %dma_start3A_358 = tpu.memref_squeeze %dma_start3A_357 : memref<1x128xi32, #tpu.memory_space<vmem>> -> memref<128xi32, #tpu.memory_space<vmem>>
      %dma_start3A_359 = arith.constant 0 : i32
      %dma_start3A_360 = arith.constant 0 : i32
      %dma_start3A_361 = tpu.memref_slice %arg3[%dma_start3A_359, %dma_start3A_360] : memref<1000000x128xf32, #tpu.memory_space<hbm>> -> memref<1000000x128xf32, #tpu.memory_space<hbm>>
      tpu.enqueue_indirect_dma source(%dma_start3A_361 : memref<1000000x128xf32, #tpu.memory_space<hbm>>) target(%arg7 : memref<128x128xf32, #tpu.memory_space<vmem>>) offsets(%dma_start3A_358 : memref<128xi32, #tpu.memory_space<vmem>>) semaphore(%arg13 : memref<!tpu.dma_semaphore, #tpu.memory_space<semaphore_mem>>)
      %sub3A_362 = arith.constant 2 : i32
      %sub3A_363 = arith.subi %add3A_345, %sub3A_362 : i32
      %dma_wait3A_364 = arith.constant 6 : i32
      %dma_wait3A_365 = arith.constant 0 : i32
      %dma_wait3A_366 = tpu.memref_slice %arg5[%dma_wait3A_364, %dma_wait3A_365] : memref<8x128xi32, #tpu.memory_space<vmem>> -> memref<1x128xi32, #tpu.memory_space<vmem>>
      %dma_wait3A_367 = tpu.memref_squeeze %dma_wait3A_366 : memref<1x128xi32, #tpu.memory_space<vmem>> -> memref<128xi32, #tpu.memory_space<vmem>>
      %dma_wait3A_368 = arith.constant 0 : i32
      %dma_wait3A_369 = arith.constant 0 : i32
      %dma_wait3A_370 = tpu.memref_slice %arg3[%dma_wait3A_368, %dma_wait3A_369] : memref<1000000x128xf32, #tpu.memory_space<hbm>> -> memref<1000000x128xf32, #tpu.memory_space<hbm>>
      tpu.wait_indirect_dma semaphore(%arg15 : memref<!tpu.dma_semaphore, #tpu.memory_space<semaphore_mem>>) src(%dma_wait3A_370 : memref<1000000x128xf32, #tpu.memory_space<hbm>>) dst(%arg9 : memref<128x128xf32, #tpu.memory_space<vmem>>)
      %mul3A_371 = arith.constant 128 : i32
      %mul3A_372 = arith.muli %sub3A_363, %mul3A_371 : i32
      %add3A_373 = arith.addi %mul3A_2, %mul3A_372 : i32
      %dma_start3A_374 = arith.constant 0 : i32
      %dma_start3A_375 = tpu.memref_slice %arg4[%add3A_373, %dma_start3A_374] : memref<3276800x128xf32, #tpu.memory_space<hbm>> -> memref<128x128xf32, #tpu.memory_space<hbm>>
      %dma_start3A_376 = arith.constant 0 : i32
      %dma_start3A_377 = tpu.memref_slice %arg4[%add3A_373, %dma_start3A_376] : memref<3276800x128xf32, #tpu.memory_space<hbm>> -> memref<128x128xf32, #tpu.memory_space<hbm>>
      tpu.enqueue_dma source(%arg9 : memref<128x128xf32, #tpu.memory_space<vmem>>) target(%dma_start3A_377 : memref<128x128xf32, #tpu.memory_space<hbm>>) target_semaphore(%arg19 : memref<!tpu.dma_semaphore, #tpu.memory_space<semaphore_mem>>)
      %mul3A_378 = arith.constant 16 : i32
      %mul3A_379 = arith.muli %scan3A_64, %mul3A_378 : i32
      %add3A_380 = arith.constant 9 : i32
      %add3A_381 = arith.addi %mul3A_379, %add3A_380 : i32
      %sub3A_382 = arith.constant 4 : i32
      %sub3A_383 = arith.subi %add3A_381, %sub3A_382 : i32
      %mul3A_384 = arith.constant 128 : i32
      %mul3A_385 = arith.muli %sub3A_383, %mul3A_384 : i32
      %add3A_386 = arith.addi %mul3A_2, %mul3A_385 : i32
      %dma_wait3A_387 = arith.constant 0 : i32
      %dma_wait3A_388 = tpu.memref_slice %arg4[%add3A_386, %dma_wait3A_387] : memref<3276800x128xf32, #tpu.memory_space<hbm>> -> memref<128x128xf32, #tpu.memory_space<hbm>>
      %dma_wait3A_389 = arith.constant 0 : i32
      %dma_wait3A_390 = tpu.memref_slice %arg4[%add3A_386, %dma_wait3A_389] : memref<3276800x128xf32, #tpu.memory_space<hbm>> -> memref<128x128xf32, #tpu.memory_space<hbm>>
      tpu.wait_dma2 semaphore(%arg18 : memref<!tpu.dma_semaphore, #tpu.memory_space<semaphore_mem>>) src(%arg8 : memref<128x128xf32, #tpu.memory_space<vmem>>) dst(%dma_wait3A_390 : memref<128x128xf32, #tpu.memory_space<hbm>>)
      %dma_start3A_391 = arith.constant 1 : i32
      %dma_start3A_392 = arith.constant 0 : i32
      %dma_start3A_393 = tpu.memref_slice %arg6[%dma_start3A_391, %dma_start3A_392] : memref<8x128xi32, #tpu.memory_space<vmem>> -> memref<1x128xi32, #tpu.memory_space<vmem>>
      %dma_start3A_394 = tpu.memref_squeeze %dma_start3A_393 : memref<1x128xi32, #tpu.memory_space<vmem>> -> memref<128xi32, #tpu.memory_space<vmem>>
      %dma_start3A_395 = arith.constant 0 : i32
      %dma_start3A_396 = arith.constant 0 : i32
      %dma_start3A_397 = tpu.memref_slice %arg3[%dma_start3A_395, %dma_start3A_396] : memref<1000000x128xf32, #tpu.memory_space<hbm>> -> memref<1000000x128xf32, #tpu.memory_space<hbm>>
      tpu.enqueue_indirect_dma source(%dma_start3A_397 : memref<1000000x128xf32, #tpu.memory_space<hbm>>) target(%arg8 : memref<128x128xf32, #tpu.memory_space<vmem>>) offsets(%dma_start3A_394 : memref<128xi32, #tpu.memory_space<vmem>>) semaphore(%arg14 : memref<!tpu.dma_semaphore, #tpu.memory_space<semaphore_mem>>)
      %sub3A_398 = arith.constant 2 : i32
      %sub3A_399 = arith.subi %add3A_381, %sub3A_398 : i32
      %dma_wait3A_400 = arith.constant 7 : i32
      %dma_wait3A_401 = arith.constant 0 : i32
      %dma_wait3A_402 = tpu.memref_slice %arg5[%dma_wait3A_400, %dma_wait3A_401] : memref<8x128xi32, #tpu.memory_space<vmem>> -> memref<1x128xi32, #tpu.memory_space<vmem>>
      %dma_wait3A_403 = tpu.memref_squeeze %dma_wait3A_402 : memref<1x128xi32, #tpu.memory_space<vmem>> -> memref<128xi32, #tpu.memory_space<vmem>>
      %dma_wait3A_404 = arith.constant 0 : i32
      %dma_wait3A_405 = arith.constant 0 : i32
      %dma_wait3A_406 = tpu.memref_slice %arg3[%dma_wait3A_404, %dma_wait3A_405] : memref<1000000x128xf32, #tpu.memory_space<hbm>> -> memref<1000000x128xf32, #tpu.memory_space<hbm>>
      tpu.wait_indirect_dma semaphore(%arg16 : memref<!tpu.dma_semaphore, #tpu.memory_space<semaphore_mem>>) src(%dma_wait3A_406 : memref<1000000x128xf32, #tpu.memory_space<hbm>>) dst(%arg10 : memref<128x128xf32, #tpu.memory_space<vmem>>)
      %mul3A_407 = arith.constant 128 : i32
      %mul3A_408 = arith.muli %sub3A_399, %mul3A_407 : i32
      %add3A_409 = arith.addi %mul3A_2, %mul3A_408 : i32
      %dma_start3A_410 = arith.constant 0 : i32
      %dma_start3A_411 = tpu.memref_slice %arg4[%add3A_409, %dma_start3A_410] : memref<3276800x128xf32, #tpu.memory_space<hbm>> -> memref<128x128xf32, #tpu.memory_space<hbm>>
      %dma_start3A_412 = arith.constant 0 : i32
      %dma_start3A_413 = tpu.memref_slice %arg4[%add3A_409, %dma_start3A_412] : memref<3276800x128xf32, #tpu.memory_space<hbm>> -> memref<128x128xf32, #tpu.memory_space<hbm>>
      tpu.enqueue_dma source(%arg10 : memref<128x128xf32, #tpu.memory_space<vmem>>) target(%dma_start3A_413 : memref<128x128xf32, #tpu.memory_space<hbm>>) target_semaphore(%arg20 : memref<!tpu.dma_semaphore, #tpu.memory_space<semaphore_mem>>)
      %lt3A = arith.constant 49 : i32
      %lt3A_414 = arith.cmpi slt, %scan3A_64, %lt3A : i32
      %convert_element_type3A_415 = arith.extui %lt3A_414 : i1 to i32
      %cond3A_416 = arith.constant 0 : i32
      %cond3A_417 = arith.cmpi ne, %convert_element_type3A_415, %cond3A_416 : i32
      scf.if %cond3A_417 {
        %mul3A_634 = arith.constant 2 : i32
        %mul3A_635 = arith.muli %mul3A_634, %scan3A_64 : i32
        %add3A_636 = arith.constant 2 : i32
        %add3A_637 = arith.addi %mul3A_635, %add3A_636 : i32
        %mul3A_638 = arith.constant 8 : i32
        %mul3A_639 = arith.muli %add3A_637, %mul3A_638 : i32
        %add3A_640 = arith.addi %mul3A_4, %mul3A_639 : i32
        %dma_start3A_641 = arith.constant 0 : i32
        %dma_start3A_642 = tpu.memref_slice %arg2[%add3A_640, %dma_start3A_641] : memref<25600x128xi32, #tpu.memory_space<hbm>> -> memref<8x128xi32, #tpu.memory_space<hbm>>
        %dma_start3A_643 = arith.constant 0 : i32
        %dma_start3A_644 = tpu.memref_slice %arg2[%add3A_640, %dma_start3A_643] : memref<25600x128xi32, #tpu.memory_space<hbm>> -> memref<8x128xi32, #tpu.memory_space<hbm>>
        tpu.enqueue_dma source(%dma_start3A_644 : memref<8x128xi32, #tpu.memory_space<hbm>>) target(%arg5 : memref<8x128xi32, #tpu.memory_space<vmem>>) target_semaphore(%arg11 : memref<!tpu.dma_semaphore, #tpu.memory_space<semaphore_mem>>)
      } else {
      }
      %mul3A_418 = arith.constant 16 : i32
      %mul3A_419 = arith.muli %scan3A_64, %mul3A_418 : i32
      %add3A_420 = arith.constant 10 : i32
      %add3A_421 = arith.addi %mul3A_419, %add3A_420 : i32
      %sub3A_422 = arith.constant 4 : i32
      %sub3A_423 = arith.subi %add3A_421, %sub3A_422 : i32
      %mul3A_424 = arith.constant 128 : i32
      %mul3A_425 = arith.muli %sub3A_423, %mul3A_424 : i32
      %add3A_426 = arith.addi %mul3A_2, %mul3A_425 : i32
      %dma_wait3A_427 = arith.constant 0 : i32
      %dma_wait3A_428 = tpu.memref_slice %arg4[%add3A_426, %dma_wait3A_427] : memref<3276800x128xf32, #tpu.memory_space<hbm>> -> memref<128x128xf32, #tpu.memory_space<hbm>>
      %dma_wait3A_429 = arith.constant 0 : i32
      %dma_wait3A_430 = tpu.memref_slice %arg4[%add3A_426, %dma_wait3A_429] : memref<3276800x128xf32, #tpu.memory_space<hbm>> -> memref<128x128xf32, #tpu.memory_space<hbm>>
      tpu.wait_dma2 semaphore(%arg19 : memref<!tpu.dma_semaphore, #tpu.memory_space<semaphore_mem>>) src(%arg9 : memref<128x128xf32, #tpu.memory_space<vmem>>) dst(%dma_wait3A_430 : memref<128x128xf32, #tpu.memory_space<hbm>>)
      %dma_start3A_431 = arith.constant 2 : i32
      %dma_start3A_432 = arith.constant 0 : i32
      %dma_start3A_433 = tpu.memref_slice %arg6[%dma_start3A_431, %dma_start3A_432] : memref<8x128xi32, #tpu.memory_space<vmem>> -> memref<1x128xi32, #tpu.memory_space<vmem>>
      %dma_start3A_434 = tpu.memref_squeeze %dma_start3A_433 : memref<1x128xi32, #tpu.memory_space<vmem>> -> memref<128xi32, #tpu.memory_space<vmem>>
      %dma_start3A_435 = arith.constant 0 : i32
      %dma_start3A_436 = arith.constant 0 : i32
      %dma_start3A_437 = tpu.memref_slice %arg3[%dma_start3A_435, %dma_start3A_436] : memref<1000000x128xf32, #tpu.memory_space<hbm>> -> memref<1000000x128xf32, #tpu.memory_space<hbm>>
      tpu.enqueue_indirect_dma source(%dma_start3A_437 : memref<1000000x128xf32, #tpu.memory_space<hbm>>) target(%arg9 : memref<128x128xf32, #tpu.memory_space<vmem>>) offsets(%dma_start3A_434 : memref<128xi32, #tpu.memory_space<vmem>>) semaphore(%arg15 : memref<!tpu.dma_semaphore, #tpu.memory_space<semaphore_mem>>)
      %sub3A_438 = arith.constant 2 : i32
      %sub3A_439 = arith.subi %add3A_421, %sub3A_438 : i32
      %dma_wait3A_440 = arith.constant 0 : i32
      %dma_wait3A_441 = arith.constant 0 : i32
      %dma_wait3A_442 = tpu.memref_slice %arg6[%dma_wait3A_440, %dma_wait3A_441] : memref<8x128xi32, #tpu.memory_space<vmem>> -> memref<1x128xi32, #tpu.memory_space<vmem>>
      %dma_wait3A_443 = tpu.memref_squeeze %dma_wait3A_442 : memref<1x128xi32, #tpu.memory_space<vmem>> -> memref<128xi32, #tpu.memory_space<vmem>>
      %dma_wait3A_444 = arith.constant 0 : i32
      %dma_wait3A_445 = arith.constant 0 : i32
      %dma_wait3A_446 = tpu.memref_slice %arg3[%dma_wait3A_444, %dma_wait3A_445] : memref<1000000x128xf32, #tpu.memory_space<hbm>> -> memref<1000000x128xf32, #tpu.memory_space<hbm>>
      tpu.wait_indirect_dma semaphore(%arg13 : memref<!tpu.dma_semaphore, #tpu.memory_space<semaphore_mem>>) src(%dma_wait3A_446 : memref<1000000x128xf32, #tpu.memory_space<hbm>>) dst(%arg7 : memref<128x128xf32, #tpu.memory_space<vmem>>)
      %mul3A_447 = arith.constant 128 : i32
      %mul3A_448 = arith.muli %sub3A_439, %mul3A_447 : i32
      %add3A_449 = arith.addi %mul3A_2, %mul3A_448 : i32
      %dma_start3A_450 = arith.constant 0 : i32
      %dma_start3A_451 = tpu.memref_slice %arg4[%add3A_449, %dma_start3A_450] : memref<3276800x128xf32, #tpu.memory_space<hbm>> -> memref<128x128xf32, #tpu.memory_space<hbm>>
      %dma_start3A_452 = arith.constant 0 : i32
      %dma_start3A_453 = tpu.memref_slice %arg4[%add3A_449, %dma_start3A_452] : memref<3276800x128xf32, #tpu.memory_space<hbm>> -> memref<128x128xf32, #tpu.memory_space<hbm>>
      tpu.enqueue_dma source(%arg7 : memref<128x128xf32, #tpu.memory_space<vmem>>) target(%dma_start3A_453 : memref<128x128xf32, #tpu.memory_space<hbm>>) target_semaphore(%arg17 : memref<!tpu.dma_semaphore, #tpu.memory_space<semaphore_mem>>)
      %mul3A_454 = arith.constant 16 : i32
      %mul3A_455 = arith.muli %scan3A_64, %mul3A_454 : i32
      %add3A_456 = arith.constant 11 : i32
      %add3A_457 = arith.addi %mul3A_455, %add3A_456 : i32
      %sub3A_458 = arith.constant 4 : i32
      %sub3A_459 = arith.subi %add3A_457, %sub3A_458 : i32
      %mul3A_460 = arith.constant 128 : i32
      %mul3A_461 = arith.muli %sub3A_459, %mul3A_460 : i32
      %add3A_462 = arith.addi %mul3A_2, %mul3A_461 : i32
      %dma_wait3A_463 = arith.constant 0 : i32
      %dma_wait3A_464 = tpu.memref_slice %arg4[%add3A_462, %dma_wait3A_463] : memref<3276800x128xf32, #tpu.memory_space<hbm>> -> memref<128x128xf32, #tpu.memory_space<hbm>>
      %dma_wait3A_465 = arith.constant 0 : i32
      %dma_wait3A_466 = tpu.memref_slice %arg4[%add3A_462, %dma_wait3A_465] : memref<3276800x128xf32, #tpu.memory_space<hbm>> -> memref<128x128xf32, #tpu.memory_space<hbm>>
      tpu.wait_dma2 semaphore(%arg20 : memref<!tpu.dma_semaphore, #tpu.memory_space<semaphore_mem>>) src(%arg10 : memref<128x128xf32, #tpu.memory_space<vmem>>) dst(%dma_wait3A_466 : memref<128x128xf32, #tpu.memory_space<hbm>>)
      %dma_start3A_467 = arith.constant 3 : i32
      %dma_start3A_468 = arith.constant 0 : i32
      %dma_start3A_469 = tpu.memref_slice %arg6[%dma_start3A_467, %dma_start3A_468] : memref<8x128xi32, #tpu.memory_space<vmem>> -> memref<1x128xi32, #tpu.memory_space<vmem>>
      %dma_start3A_470 = tpu.memref_squeeze %dma_start3A_469 : memref<1x128xi32, #tpu.memory_space<vmem>> -> memref<128xi32, #tpu.memory_space<vmem>>
      %dma_start3A_471 = arith.constant 0 : i32
      %dma_start3A_472 = arith.constant 0 : i32
      %dma_start3A_473 = tpu.memref_slice %arg3[%dma_start3A_471, %dma_start3A_472] : memref<1000000x128xf32, #tpu.memory_space<hbm>> -> memref<1000000x128xf32, #tpu.memory_space<hbm>>
      tpu.enqueue_indirect_dma source(%dma_start3A_473 : memref<1000000x128xf32, #tpu.memory_space<hbm>>) target(%arg10 : memref<128x128xf32, #tpu.memory_space<vmem>>) offsets(%dma_start3A_470 : memref<128xi32, #tpu.memory_space<vmem>>) semaphore(%arg16 : memref<!tpu.dma_semaphore, #tpu.memory_space<semaphore_mem>>)
      %sub3A_474 = arith.constant 2 : i32
      %sub3A_475 = arith.subi %add3A_457, %sub3A_474 : i32
      %dma_wait3A_476 = arith.constant 1 : i32
      %dma_wait3A_477 = arith.constant 0 : i32
      %dma_wait3A_478 = tpu.memref_slice %arg6[%dma_wait3A_476, %dma_wait3A_477] : memref<8x128xi32, #tpu.memory_space<vmem>> -> memref<1x128xi32, #tpu.memory_space<vmem>>
      %dma_wait3A_479 = tpu.memref_squeeze %dma_wait3A_478 : memref<1x128xi32, #tpu.memory_space<vmem>> -> memref<128xi32, #tpu.memory_space<vmem>>
      %dma_wait3A_480 = arith.constant 0 : i32
      %dma_wait3A_481 = arith.constant 0 : i32
      %dma_wait3A_482 = tpu.memref_slice %arg3[%dma_wait3A_480, %dma_wait3A_481] : memref<1000000x128xf32, #tpu.memory_space<hbm>> -> memref<1000000x128xf32, #tpu.memory_space<hbm>>
      tpu.wait_indirect_dma semaphore(%arg14 : memref<!tpu.dma_semaphore, #tpu.memory_space<semaphore_mem>>) src(%dma_wait3A_482 : memref<1000000x128xf32, #tpu.memory_space<hbm>>) dst(%arg8 : memref<128x128xf32, #tpu.memory_space<vmem>>)
      %mul3A_483 = arith.constant 128 : i32
      %mul3A_484 = arith.muli %sub3A_475, %mul3A_483 : i32
      %add3A_485 = arith.addi %mul3A_2, %mul3A_484 : i32
      %dma_start3A_486 = arith.constant 0 : i32
      %dma_start3A_487 = tpu.memref_slice %arg4[%add3A_485, %dma_start3A_486] : memref<3276800x128xf32, #tpu.memory_space<hbm>> -> memref<128x128xf32, #tpu.memory_space<hbm>>
      %dma_start3A_488 = arith.constant 0 : i32
      %dma_start3A_489 = tpu.memref_slice %arg4[%add3A_485, %dma_start3A_488] : memref<3276800x128xf32, #tpu.memory_space<hbm>> -> memref<128x128xf32, #tpu.memory_space<hbm>>
      tpu.enqueue_dma source(%arg8 : memref<128x128xf32, #tpu.memory_space<vmem>>) target(%dma_start3A_489 : memref<128x128xf32, #tpu.memory_space<hbm>>) target_semaphore(%arg18 : memref<!tpu.dma_semaphore, #tpu.memory_space<semaphore_mem>>)
      %mul3A_490 = arith.constant 16 : i32
      %mul3A_491 = arith.muli %scan3A_64, %mul3A_490 : i32
      %add3A_492 = arith.constant 12 : i32
      %add3A_493 = arith.addi %mul3A_491, %add3A_492 : i32
      %sub3A_494 = arith.constant 4 : i32
      %sub3A_495 = arith.subi %add3A_493, %sub3A_494 : i32
      %mul3A_496 = arith.constant 128 : i32
      %mul3A_497 = arith.muli %sub3A_495, %mul3A_496 : i32
      %add3A_498 = arith.addi %mul3A_2, %mul3A_497 : i32
      %dma_wait3A_499 = arith.constant 0 : i32
      %dma_wait3A_500 = tpu.memref_slice %arg4[%add3A_498, %dma_wait3A_499] : memref<3276800x128xf32, #tpu.memory_space<hbm>> -> memref<128x128xf32, #tpu.memory_space<hbm>>
      %dma_wait3A_501 = arith.constant 0 : i32
      %dma_wait3A_502 = tpu.memref_slice %arg4[%add3A_498, %dma_wait3A_501] : memref<3276800x128xf32, #tpu.memory_space<hbm>> -> memref<128x128xf32, #tpu.memory_space<hbm>>
      tpu.wait_dma2 semaphore(%arg17 : memref<!tpu.dma_semaphore, #tpu.memory_space<semaphore_mem>>) src(%arg7 : memref<128x128xf32, #tpu.memory_space<vmem>>) dst(%dma_wait3A_502 : memref<128x128xf32, #tpu.memory_space<hbm>>)
      %dma_start3A_503 = arith.constant 4 : i32
      %dma_start3A_504 = arith.constant 0 : i32
      %dma_start3A_505 = tpu.memref_slice %arg6[%dma_start3A_503, %dma_start3A_504] : memref<8x128xi32, #tpu.memory_space<vmem>> -> memref<1x128xi32, #tpu.memory_space<vmem>>
      %dma_start3A_506 = tpu.memref_squeeze %dma_start3A_505 : memref<1x128xi32, #tpu.memory_space<vmem>> -> memref<128xi32, #tpu.memory_space<vmem>>
      %dma_start3A_507 = arith.constant 0 : i32
      %dma_start3A_508 = arith.constant 0 : i32
      %dma_start3A_509 = tpu.memref_slice %arg3[%dma_start3A_507, %dma_start3A_508] : memref<1000000x128xf32, #tpu.memory_space<hbm>> -> memref<1000000x128xf32, #tpu.memory_space<hbm>>
      tpu.enqueue_indirect_dma source(%dma_start3A_509 : memref<1000000x128xf32, #tpu.memory_space<hbm>>) target(%arg7 : memref<128x128xf32, #tpu.memory_space<vmem>>) offsets(%dma_start3A_506 : memref<128xi32, #tpu.memory_space<vmem>>) semaphore(%arg13 : memref<!tpu.dma_semaphore, #tpu.memory_space<semaphore_mem>>)
      %sub3A_510 = arith.constant 2 : i32
      %sub3A_511 = arith.subi %add3A_493, %sub3A_510 : i32
      %dma_wait3A_512 = arith.constant 2 : i32
      %dma_wait3A_513 = arith.constant 0 : i32
      %dma_wait3A_514 = tpu.memref_slice %arg6[%dma_wait3A_512, %dma_wait3A_513] : memref<8x128xi32, #tpu.memory_space<vmem>> -> memref<1x128xi32, #tpu.memory_space<vmem>>
      %dma_wait3A_515 = tpu.memref_squeeze %dma_wait3A_514 : memref<1x128xi32, #tpu.memory_space<vmem>> -> memref<128xi32, #tpu.memory_space<vmem>>
      %dma_wait3A_516 = arith.constant 0 : i32
      %dma_wait3A_517 = arith.constant 0 : i32
      %dma_wait3A_518 = tpu.memref_slice %arg3[%dma_wait3A_516, %dma_wait3A_517] : memref<1000000x128xf32, #tpu.memory_space<hbm>> -> memref<1000000x128xf32, #tpu.memory_space<hbm>>
      tpu.wait_indirect_dma semaphore(%arg15 : memref<!tpu.dma_semaphore, #tpu.memory_space<semaphore_mem>>) src(%dma_wait3A_518 : memref<1000000x128xf32, #tpu.memory_space<hbm>>) dst(%arg9 : memref<128x128xf32, #tpu.memory_space<vmem>>)
      %mul3A_519 = arith.constant 128 : i32
      %mul3A_520 = arith.muli %sub3A_511, %mul3A_519 : i32
      %add3A_521 = arith.addi %mul3A_2, %mul3A_520 : i32
      %dma_start3A_522 = arith.constant 0 : i32
      %dma_start3A_523 = tpu.memref_slice %arg4[%add3A_521, %dma_start3A_522] : memref<3276800x128xf32, #tpu.memory_space<hbm>> -> memref<128x128xf32, #tpu.memory_space<hbm>>
      %dma_start3A_524 = arith.constant 0 : i32
      %dma_start3A_525 = tpu.memref_slice %arg4[%add3A_521, %dma_start3A_524] : memref<3276800x128xf32, #tpu.memory_space<hbm>> -> memref<128x128xf32, #tpu.memory_space<hbm>>
      tpu.enqueue_dma source(%arg9 : memref<128x128xf32, #tpu.memory_space<vmem>>) target(%dma_start3A_525 : memref<128x128xf32, #tpu.memory_space<hbm>>) target_semaphore(%arg19 : memref<!tpu.dma_semaphore, #tpu.memory_space<semaphore_mem>>)
      %mul3A_526 = arith.constant 16 : i32
      %mul3A_527 = arith.muli %scan3A_64, %mul3A_526 : i32
      %add3A_528 = arith.constant 13 : i32
      %add3A_529 = arith.addi %mul3A_527, %add3A_528 : i32
      %sub3A_530 = arith.constant 4 : i32
      %sub3A_531 = arith.subi %add3A_529, %sub3A_530 : i32
      %mul3A_532 = arith.constant 128 : i32
      %mul3A_533 = arith.muli %sub3A_531, %mul3A_532 : i32
      %add3A_534 = arith.addi %mul3A_2, %mul3A_533 : i32
      %dma_wait3A_535 = arith.constant 0 : i32
      %dma_wait3A_536 = tpu.memref_slice %arg4[%add3A_534, %dma_wait3A_535] : memref<3276800x128xf32, #tpu.memory_space<hbm>> -> memref<128x128xf32, #tpu.memory_space<hbm>>
      %dma_wait3A_537 = arith.constant 0 : i32
      %dma_wait3A_538 = tpu.memref_slice %arg4[%add3A_534, %dma_wait3A_537] : memref<3276800x128xf32, #tpu.memory_space<hbm>> -> memref<128x128xf32, #tpu.memory_space<hbm>>
      tpu.wait_dma2 semaphore(%arg18 : memref<!tpu.dma_semaphore, #tpu.memory_space<semaphore_mem>>) src(%arg8 : memref<128x128xf32, #tpu.memory_space<vmem>>) dst(%dma_wait3A_538 : memref<128x128xf32, #tpu.memory_space<hbm>>)
      %dma_start3A_539 = arith.constant 5 : i32
      %dma_start3A_540 = arith.constant 0 : i32
      %dma_start3A_541 = tpu.memref_slice %arg6[%dma_start3A_539, %dma_start3A_540] : memref<8x128xi32, #tpu.memory_space<vmem>> -> memref<1x128xi32, #tpu.memory_space<vmem>>
      %dma_start3A_542 = tpu.memref_squeeze %dma_start3A_541 : memref<1x128xi32, #tpu.memory_space<vmem>> -> memref<128xi32, #tpu.memory_space<vmem>>
      %dma_start3A_543 = arith.constant 0 : i32
      %dma_start3A_544 = arith.constant 0 : i32
      %dma_start3A_545 = tpu.memref_slice %arg3[%dma_start3A_543, %dma_start3A_544] : memref<1000000x128xf32, #tpu.memory_space<hbm>> -> memref<1000000x128xf32, #tpu.memory_space<hbm>>
      tpu.enqueue_indirect_dma source(%dma_start3A_545 : memref<1000000x128xf32, #tpu.memory_space<hbm>>) target(%arg8 : memref<128x128xf32, #tpu.memory_space<vmem>>) offsets(%dma_start3A_542 : memref<128xi32, #tpu.memory_space<vmem>>) semaphore(%arg14 : memref<!tpu.dma_semaphore, #tpu.memory_space<semaphore_mem>>)
      %sub3A_546 = arith.constant 2 : i32
      %sub3A_547 = arith.subi %add3A_529, %sub3A_546 : i32
      %dma_wait3A_548 = arith.constant 3 : i32
      %dma_wait3A_549 = arith.constant 0 : i32
      %dma_wait3A_550 = tpu.memref_slice %arg6[%dma_wait3A_548, %dma_wait3A_549] : memref<8x128xi32, #tpu.memory_space<vmem>> -> memref<1x128xi32, #tpu.memory_space<vmem>>
      %dma_wait3A_551 = tpu.memref_squeeze %dma_wait3A_550 : memref<1x128xi32, #tpu.memory_space<vmem>> -> memref<128xi32, #tpu.memory_space<vmem>>
      %dma_wait3A_552 = arith.constant 0 : i32
      %dma_wait3A_553 = arith.constant 0 : i32
      %dma_wait3A_554 = tpu.memref_slice %arg3[%dma_wait3A_552, %dma_wait3A_553] : memref<1000000x128xf32, #tpu.memory_space<hbm>> -> memref<1000000x128xf32, #tpu.memory_space<hbm>>
      tpu.wait_indirect_dma semaphore(%arg16 : memref<!tpu.dma_semaphore, #tpu.memory_space<semaphore_mem>>) src(%dma_wait3A_554 : memref<1000000x128xf32, #tpu.memory_space<hbm>>) dst(%arg10 : memref<128x128xf32, #tpu.memory_space<vmem>>)
      %mul3A_555 = arith.constant 128 : i32
      %mul3A_556 = arith.muli %sub3A_547, %mul3A_555 : i32
      %add3A_557 = arith.addi %mul3A_2, %mul3A_556 : i32
      %dma_start3A_558 = arith.constant 0 : i32
      %dma_start3A_559 = tpu.memref_slice %arg4[%add3A_557, %dma_start3A_558] : memref<3276800x128xf32, #tpu.memory_space<hbm>> -> memref<128x128xf32, #tpu.memory_space<hbm>>
      %dma_start3A_560 = arith.constant 0 : i32
      %dma_start3A_561 = tpu.memref_slice %arg4[%add3A_557, %dma_start3A_560] : memref<3276800x128xf32, #tpu.memory_space<hbm>> -> memref<128x128xf32, #tpu.memory_space<hbm>>
      tpu.enqueue_dma source(%arg10 : memref<128x128xf32, #tpu.memory_space<vmem>>) target(%dma_start3A_561 : memref<128x128xf32, #tpu.memory_space<hbm>>) target_semaphore(%arg20 : memref<!tpu.dma_semaphore, #tpu.memory_space<semaphore_mem>>)
      %mul3A_562 = arith.constant 16 : i32
      %mul3A_563 = arith.muli %scan3A_64, %mul3A_562 : i32
      %add3A_564 = arith.constant 14 : i32
      %add3A_565 = arith.addi %mul3A_563, %add3A_564 : i32
      %sub3A_566 = arith.constant 4 : i32
      %sub3A_567 = arith.subi %add3A_565, %sub3A_566 : i32
      %mul3A_568 = arith.constant 128 : i32
      %mul3A_569 = arith.muli %sub3A_567, %mul3A_568 : i32
      %add3A_570 = arith.addi %mul3A_2, %mul3A_569 : i32
      %dma_wait3A_571 = arith.constant 0 : i32
      %dma_wait3A_572 = tpu.memref_slice %arg4[%add3A_570, %dma_wait3A_571] : memref<3276800x128xf32, #tpu.memory_space<hbm>> -> memref<128x128xf32, #tpu.memory_space<hbm>>
      %dma_wait3A_573 = arith.constant 0 : i32
      %dma_wait3A_574 = tpu.memref_slice %arg4[%add3A_570, %dma_wait3A_573] : memref<3276800x128xf32, #tpu.memory_space<hbm>> -> memref<128x128xf32, #tpu.memory_space<hbm>>
      tpu.wait_dma2 semaphore(%arg19 : memref<!tpu.dma_semaphore, #tpu.memory_space<semaphore_mem>>) src(%arg9 : memref<128x128xf32, #tpu.memory_space<vmem>>) dst(%dma_wait3A_574 : memref<128x128xf32, #tpu.memory_space<hbm>>)
      %dma_start3A_575 = arith.constant 6 : i32
      %dma_start3A_576 = arith.constant 0 : i32
      %dma_start3A_577 = tpu.memref_slice %arg6[%dma_start3A_575, %dma_start3A_576] : memref<8x128xi32, #tpu.memory_space<vmem>> -> memref<1x128xi32, #tpu.memory_space<vmem>>
      %dma_start3A_578 = tpu.memref_squeeze %dma_start3A_577 : memref<1x128xi32, #tpu.memory_space<vmem>> -> memref<128xi32, #tpu.memory_space<vmem>>
      %dma_start3A_579 = arith.constant 0 : i32
      %dma_start3A_580 = arith.constant 0 : i32
      %dma_start3A_581 = tpu.memref_slice %arg3[%dma_start3A_579, %dma_start3A_580] : memref<1000000x128xf32, #tpu.memory_space<hbm>> -> memref<1000000x128xf32, #tpu.memory_space<hbm>>
      tpu.enqueue_indirect_dma source(%dma_start3A_581 : memref<1000000x128xf32, #tpu.memory_space<hbm>>) target(%arg9 : memref<128x128xf32, #tpu.memory_space<vmem>>) offsets(%dma_start3A_578 : memref<128xi32, #tpu.memory_space<vmem>>) semaphore(%arg15 : memref<!tpu.dma_semaphore, #tpu.memory_space<semaphore_mem>>)
      %sub3A_582 = arith.constant 2 : i32
      %sub3A_583 = arith.subi %add3A_565, %sub3A_582 : i32
      %dma_wait3A_584 = arith.constant 4 : i32
      %dma_wait3A_585 = arith.constant 0 : i32
      %dma_wait3A_586 = tpu.memref_slice %arg6[%dma_wait3A_584, %dma_wait3A_585] : memref<8x128xi32, #tpu.memory_space<vmem>> -> memref<1x128xi32, #tpu.memory_space<vmem>>
      %dma_wait3A_587 = tpu.memref_squeeze %dma_wait3A_586 : memref<1x128xi32, #tpu.memory_space<vmem>> -> memref<128xi32, #tpu.memory_space<vmem>>
      %dma_wait3A_588 = arith.constant 0 : i32
      %dma_wait3A_589 = arith.constant 0 : i32
      %dma_wait3A_590 = tpu.memref_slice %arg3[%dma_wait3A_588, %dma_wait3A_589] : memref<1000000x128xf32, #tpu.memory_space<hbm>> -> memref<1000000x128xf32, #tpu.memory_space<hbm>>
      tpu.wait_indirect_dma semaphore(%arg13 : memref<!tpu.dma_semaphore, #tpu.memory_space<semaphore_mem>>) src(%dma_wait3A_590 : memref<1000000x128xf32, #tpu.memory_space<hbm>>) dst(%arg7 : memref<128x128xf32, #tpu.memory_space<vmem>>)
      %mul3A_591 = arith.constant 128 : i32
      %mul3A_592 = arith.muli %sub3A_583, %mul3A_591 : i32
      %add3A_593 = arith.addi %mul3A_2, %mul3A_592 : i32
      %dma_start3A_594 = arith.constant 0 : i32
      %dma_start3A_595 = tpu.memref_slice %arg4[%add3A_593, %dma_start3A_594] : memref<3276800x128xf32, #tpu.memory_space<hbm>> -> memref<128x128xf32, #tpu.memory_space<hbm>>
      %dma_start3A_596 = arith.constant 0 : i32
      %dma_start3A_597 = tpu.memref_slice %arg4[%add3A_593, %dma_start3A_596] : memref<3276800x128xf32, #tpu.memory_space<hbm>> -> memref<128x128xf32, #tpu.memory_space<hbm>>
      tpu.enqueue_dma source(%arg7 : memref<128x128xf32, #tpu.memory_space<vmem>>) target(%dma_start3A_597 : memref<128x128xf32, #tpu.memory_space<hbm>>) target_semaphore(%arg17 : memref<!tpu.dma_semaphore, #tpu.memory_space<semaphore_mem>>)
      %mul3A_598 = arith.constant 16 : i32
      %mul3A_599 = arith.muli %scan3A_64, %mul3A_598 : i32
      %add3A_600 = arith.constant 15 : i32
      %add3A_601 = arith.addi %mul3A_599, %add3A_600 : i32
      %sub3A_602 = arith.constant 4 : i32
      %sub3A_603 = arith.subi %add3A_601, %sub3A_602 : i32
      %mul3A_604 = arith.constant 128 : i32
      %mul3A_605 = arith.muli %sub3A_603, %mul3A_604 : i32
      %add3A_606 = arith.addi %mul3A_2, %mul3A_605 : i32
      %dma_wait3A_607 = arith.constant 0 : i32
      %dma_wait3A_608 = tpu.memref_slice %arg4[%add3A_606, %dma_wait3A_607] : memref<3276800x128xf32, #tpu.memory_space<hbm>> -> memref<128x128xf32, #tpu.memory_space<hbm>>
      %dma_wait3A_609 = arith.constant 0 : i32
      %dma_wait3A_610 = tpu.memref_slice %arg4[%add3A_606, %dma_wait3A_609] : memref<3276800x128xf32, #tpu.memory_space<hbm>> -> memref<128x128xf32, #tpu.memory_space<hbm>>
      tpu.wait_dma2 semaphore(%arg20 : memref<!tpu.dma_semaphore, #tpu.memory_space<semaphore_mem>>) src(%arg10 : memref<128x128xf32, #tpu.memory_space<vmem>>) dst(%dma_wait3A_610 : memref<128x128xf32, #tpu.memory_space<hbm>>)
      %dma_start3A_611 = arith.constant 7 : i32
      %dma_start3A_612 = arith.constant 0 : i32
      %dma_start3A_613 = tpu.memref_slice %arg6[%dma_start3A_611, %dma_start3A_612] : memref<8x128xi32, #tpu.memory_space<vmem>> -> memref<1x128xi32, #tpu.memory_space<vmem>>
      %dma_start3A_614 = tpu.memref_squeeze %dma_start3A_613 : memref<1x128xi32, #tpu.memory_space<vmem>> -> memref<128xi32, #tpu.memory_space<vmem>>
      %dma_start3A_615 = arith.constant 0 : i32
      %dma_start3A_616 = arith.constant 0 : i32
      %dma_start3A_617 = tpu.memref_slice %arg3[%dma_start3A_615, %dma_start3A_616] : memref<1000000x128xf32, #tpu.memory_space<hbm>> -> memref<1000000x128xf32, #tpu.memory_space<hbm>>
      tpu.enqueue_indirect_dma source(%dma_start3A_617 : memref<1000000x128xf32, #tpu.memory_space<hbm>>) target(%arg10 : memref<128x128xf32, #tpu.memory_space<vmem>>) offsets(%dma_start3A_614 : memref<128xi32, #tpu.memory_space<vmem>>) semaphore(%arg16 : memref<!tpu.dma_semaphore, #tpu.memory_space<semaphore_mem>>)
      %sub3A_618 = arith.constant 2 : i32
      %sub3A_619 = arith.subi %add3A_601, %sub3A_618 : i32
      %dma_wait3A_620 = arith.constant 5 : i32
      %dma_wait3A_621 = arith.constant 0 : i32
      %dma_wait3A_622 = tpu.memref_slice %arg6[%dma_wait3A_620, %dma_wait3A_621] : memref<8x128xi32, #tpu.memory_space<vmem>> -> memref<1x128xi32, #tpu.memory_space<vmem>>
      %dma_wait3A_623 = tpu.memref_squeeze %dma_wait3A_622 : memref<1x128xi32, #tpu.memory_space<vmem>> -> memref<128xi32, #tpu.memory_space<vmem>>
      %dma_wait3A_624 = arith.constant 0 : i32
      %dma_wait3A_625 = arith.constant 0 : i32
      %dma_wait3A_626 = tpu.memref_slice %arg3[%dma_wait3A_624, %dma_wait3A_625] : memref<1000000x128xf32, #tpu.memory_space<hbm>> -> memref<1000000x128xf32, #tpu.memory_space<hbm>>
      tpu.wait_indirect_dma semaphore(%arg14 : memref<!tpu.dma_semaphore, #tpu.memory_space<semaphore_mem>>) src(%dma_wait3A_626 : memref<1000000x128xf32, #tpu.memory_space<hbm>>) dst(%arg8 : memref<128x128xf32, #tpu.memory_space<vmem>>)
      %mul3A_627 = arith.constant 128 : i32
      %mul3A_628 = arith.muli %sub3A_619, %mul3A_627 : i32
      %add3A_629 = arith.addi %mul3A_2, %mul3A_628 : i32
      %dma_start3A_630 = arith.constant 0 : i32
      %dma_start3A_631 = tpu.memref_slice %arg4[%add3A_629, %dma_start3A_630] : memref<3276800x128xf32, #tpu.memory_space<hbm>> -> memref<128x128xf32, #tpu.memory_space<hbm>>
      %dma_start3A_632 = arith.constant 0 : i32
      %dma_start3A_633 = tpu.memref_slice %arg4[%add3A_629, %dma_start3A_632] : memref<3276800x128xf32, #tpu.memory_space<hbm>> -> memref<128x128xf32, #tpu.memory_space<hbm>>
      tpu.enqueue_dma source(%arg8 : memref<128x128xf32, #tpu.memory_space<vmem>>) target(%dma_start3A_633 : memref<128x128xf32, #tpu.memory_space<hbm>>) target_semaphore(%arg18 : memref<!tpu.dma_semaphore, #tpu.memory_space<semaphore_mem>>)
    }
    %scan3A_14 = arith.constant 50 : i32
    %dma_wait3A = arith.constant 6 : i32
    %dma_wait3A_15 = arith.constant 0 : i32
    %dma_wait3A_16 = tpu.memref_slice %arg6[%dma_wait3A, %dma_wait3A_15] : memref<8x128xi32, #tpu.memory_space<vmem>> -> memref<1x128xi32, #tpu.memory_space<vmem>>
    %dma_wait3A_17 = tpu.memref_squeeze %dma_wait3A_16 : memref<1x128xi32, #tpu.memory_space<vmem>> -> memref<128xi32, #tpu.memory_space<vmem>>
    %dma_wait3A_18 = arith.constant 0 : i32
    %dma_wait3A_19 = arith.constant 0 : i32
    %dma_wait3A_20 = tpu.memref_slice %arg3[%dma_wait3A_18, %dma_wait3A_19] : memref<1000000x128xf32, #tpu.memory_space<hbm>> -> memref<1000000x128xf32, #tpu.memory_space<hbm>>
    tpu.wait_indirect_dma semaphore(%arg15 : memref<!tpu.dma_semaphore, #tpu.memory_space<semaphore_mem>>) src(%dma_wait3A_20 : memref<1000000x128xf32, #tpu.memory_space<hbm>>) dst(%arg9 : memref<128x128xf32, #tpu.memory_space<vmem>>)
    %add3A_21 = arith.constant 102144 : i32
    %add3A_22 = arith.addi %mul3A_2, %add3A_21 : i32
    %dma_start3A_23 = arith.constant 0 : i32
    %dma_start3A_24 = tpu.memref_slice %arg4[%add3A_22, %dma_start3A_23] : memref<3276800x128xf32, #tpu.memory_space<hbm>> -> memref<128x128xf32, #tpu.memory_space<hbm>>
    %dma_start3A_25 = arith.constant 0 : i32
    %dma_start3A_26 = tpu.memref_slice %arg4[%add3A_22, %dma_start3A_25] : memref<3276800x128xf32, #tpu.memory_space<hbm>> -> memref<128x128xf32, #tpu.memory_space<hbm>>
    tpu.enqueue_dma source(%arg9 : memref<128x128xf32, #tpu.memory_space<vmem>>) target(%dma_start3A_26 : memref<128x128xf32, #tpu.memory_space<hbm>>) target_semaphore(%arg19 : memref<!tpu.dma_semaphore, #tpu.memory_space<semaphore_mem>>)
    %dma_wait3A_27 = arith.constant 7 : i32
    %dma_wait3A_28 = arith.constant 0 : i32
    %dma_wait3A_29 = tpu.memref_slice %arg6[%dma_wait3A_27, %dma_wait3A_28] : memref<8x128xi32, #tpu.memory_space<vmem>> -> memref<1x128xi32, #tpu.memory_space<vmem>>
    %dma_wait3A_30 = tpu.memref_squeeze %dma_wait3A_29 : memref<1x128xi32, #tpu.memory_space<vmem>> -> memref<128xi32, #tpu.memory_space<vmem>>
    %dma_wait3A_31 = arith.constant 0 : i32
    %dma_wait3A_32 = arith.constant 0 : i32
    %dma_wait3A_33 = tpu.memref_slice %arg3[%dma_wait3A_31, %dma_wait3A_32] : memref<1000000x128xf32, #tpu.memory_space<hbm>> -> memref<1000000x128xf32, #tpu.memory_space<hbm>>
    tpu.wait_indirect_dma semaphore(%arg16 : memref<!tpu.dma_semaphore, #tpu.memory_space<semaphore_mem>>) src(%dma_wait3A_33 : memref<1000000x128xf32, #tpu.memory_space<hbm>>) dst(%arg10 : memref<128x128xf32, #tpu.memory_space<vmem>>)
    %add3A_34 = arith.constant 102272 : i32
    %add3A_35 = arith.addi %mul3A_2, %add3A_34 : i32
    %dma_start3A_36 = arith.constant 0 : i32
    %dma_start3A_37 = tpu.memref_slice %arg4[%add3A_35, %dma_start3A_36] : memref<3276800x128xf32, #tpu.memory_space<hbm>> -> memref<128x128xf32, #tpu.memory_space<hbm>>
    %dma_start3A_38 = arith.constant 0 : i32
    %dma_start3A_39 = tpu.memref_slice %arg4[%add3A_35, %dma_start3A_38] : memref<3276800x128xf32, #tpu.memory_space<hbm>> -> memref<128x128xf32, #tpu.memory_space<hbm>>
    tpu.enqueue_dma source(%arg10 : memref<128x128xf32, #tpu.memory_space<vmem>>) target(%dma_start3A_39 : memref<128x128xf32, #tpu.memory_space<hbm>>) target_semaphore(%arg20 : memref<!tpu.dma_semaphore, #tpu.memory_space<semaphore_mem>>)
    %add3A_40 = arith.constant 101888 : i32
    %add3A_41 = arith.addi %mul3A_2, %add3A_40 : i32
    %dma_wait3A_42 = arith.constant 0 : i32
    %dma_wait3A_43 = tpu.memref_slice %arg4[%add3A_41, %dma_wait3A_42] : memref<3276800x128xf32, #tpu.memory_space<hbm>> -> memref<128x128xf32, #tpu.memory_space<hbm>>
    %dma_wait3A_44 = arith.constant 0 : i32
    %dma_wait3A_45 = tpu.memref_slice %arg4[%add3A_41, %dma_wait3A_44] : memref<3276800x128xf32, #tpu.memory_space<hbm>> -> memref<128x128xf32, #tpu.memory_space<hbm>>
    tpu.wait_dma2 semaphore(%arg17 : memref<!tpu.dma_semaphore, #tpu.memory_space<semaphore_mem>>) src(%arg7 : memref<128x128xf32, #tpu.memory_space<vmem>>) dst(%dma_wait3A_45 : memref<128x128xf32, #tpu.memory_space<hbm>>)
    %add3A_46 = arith.constant 102016 : i32
    %add3A_47 = arith.addi %mul3A_2, %add3A_46 : i32
    %dma_wait3A_48 = arith.constant 0 : i32
    %dma_wait3A_49 = tpu.memref_slice %arg4[%add3A_47, %dma_wait3A_48] : memref<3276800x128xf32, #tpu.memory_space<hbm>> -> memref<128x128xf32, #tpu.memory_space<hbm>>
    %dma_wait3A_50 = arith.constant 0 : i32
    %dma_wait3A_51 = tpu.memref_slice %arg4[%add3A_47, %dma_wait3A_50] : memref<3276800x128xf32, #tpu.memory_space<hbm>> -> memref<128x128xf32, #tpu.memory_space<hbm>>
    tpu.wait_dma2 semaphore(%arg18 : memref<!tpu.dma_semaphore, #tpu.memory_space<semaphore_mem>>) src(%arg8 : memref<128x128xf32, #tpu.memory_space<vmem>>) dst(%dma_wait3A_51 : memref<128x128xf32, #tpu.memory_space<hbm>>)
    %add3A_52 = arith.constant 102144 : i32
    %add3A_53 = arith.addi %mul3A_2, %add3A_52 : i32
    %dma_wait3A_54 = arith.constant 0 : i32
    %dma_wait3A_55 = tpu.memref_slice %arg4[%add3A_53, %dma_wait3A_54] : memref<3276800x128xf32, #tpu.memory_space<hbm>> -> memref<128x128xf32, #tpu.memory_space<hbm>>
    %dma_wait3A_56 = arith.constant 0 : i32
    %dma_wait3A_57 = tpu.memref_slice %arg4[%add3A_53, %dma_wait3A_56] : memref<3276800x128xf32, #tpu.memory_space<hbm>> -> memref<128x128xf32, #tpu.memory_space<hbm>>
    tpu.wait_dma2 semaphore(%arg19 : memref<!tpu.dma_semaphore, #tpu.memory_space<semaphore_mem>>) src(%arg9 : memref<128x128xf32, #tpu.memory_space<vmem>>) dst(%dma_wait3A_57 : memref<128x128xf32, #tpu.memory_space<hbm>>)
    %add3A_58 = arith.constant 102272 : i32
    %add3A_59 = arith.addi %mul3A_2, %add3A_58 : i32
    %dma_wait3A_60 = arith.constant 0 : i32
    %dma_wait3A_61 = tpu.memref_slice %arg4[%add3A_59, %dma_wait3A_60] : memref<3276800x128xf32, #tpu.memory_space<hbm>> -> memref<128x128xf32, #tpu.memory_space<hbm>>
    %dma_wait3A_62 = arith.constant 0 : i32
    %dma_wait3A_63 = tpu.memref_slice %arg4[%add3A_59, %dma_wait3A_62] : memref<3276800x128xf32, #tpu.memory_space<hbm>> -> memref<128x128xf32, #tpu.memory_space<hbm>>
    tpu.wait_dma2 semaphore(%arg20 : memref<!tpu.dma_semaphore, #tpu.memory_space<semaphore_mem>>) src(%arg10 : memref<128x128xf32, #tpu.memory_space<vmem>>) dst(%dma_wait3A_63 : memref<128x128xf32, #tpu.memory_space<hbm>>)
    return
  }
}

</mosaic_0001>

<sc_bundles>
// kernel: kernel.3.cloned.1.call-start
scs
__scs_entry_jumppad:
0x0: {  	(pc) =	sbr.rel $0x88, $3  }
0x1: {  	(tag) =	ssettag $0x0;
	lr =	simm.s32 $0x1  }
0x2: {  	[smem:$0x3F9F] =	sst lr;
	_ =	strace $0xD0000000  }
0x3: {  	_ = 	snop  }
0x4: {  	_ = 	snop  }
0x5: {  	_ = 	snop  }
0x6: {  	_ = 	snop  }
0x7: {  	_ = 	snop  }
__scs_overlays_trampoline_lowered:
0x8: {  	[smem:$0x3FAE] =	sst s0  }
0x9: {  	[smem:$0x3FAF] =	sst s1  }
0xa: {  	[smem:$0x3FB0] =	sst s2  }
0xb: {  	[smem:$0x3FB1] =	sst s3  }
0xc: {  	[smem:$0x3FB2] =	sst s4  }
0xd: {  	[smem:$0x3FB3] =	sst s5  }
0xe: {  	[smem:$0x3FB4] =	sst s6  }
0xf: {  	[smem:$0x3FB5] =	sst s7  }
0x10: {  	[smem:$0x3FB6] =	sst s8  }
0x11: {  	[smem:$0x3FB7] =	sst s9;
	s0 =	simm.s32 @!p0 $0x0  }
0x12: {  	s1 =	sld [smem:$0x3F9D];
	s0 =	simm.s32 @p0 $0x1  }
0x13: {  	[smem:$0x3FB8] =	sst s0;
	s0 =	simm.s32 @!p1 $0x0  }
0x14: {  	s2 =	sld [smem:$0x3F9C];
	s0 =	simm.s32 @p1 $0x1  }
0x15: {  	[smem:$0x3FB9] =	sst s0;
	s0 =	simm.s32 @!p2 $0x0  }
0x16: {  	s3 =	sld [smem:$0x3FDB];
	s0 =	simm.s32 @p2 $0x1  }
0x17: {  	s4 =	simm.s32 $0x1BF5;
	[smem:$0x3FBB] =	sst s0  }
0x18: {  	s0 =	sld [smem:$0x3F9E];
	_ =	swait.ge [sflag:s4], $0x0  }
0x19: {  	s7 =	sld [smem:$0x3F9F]  }
0x1a: {  	s8 =	sadd.s32 $0xFFFFE003, lr  }
0x1b: {  	s9 =	sadd.s32 $0xFFFFFEF7, lr;
	s5 =	simm.s32 $0xFFFFFFFF;
	p2 =	slt.u32 s8, $0xFFFFF086  }
0x1c: {  	p1 =	slt.u32 s9, $0xF7A;
	s5 =	simm.s32 @!p2 $0x0  }
0x1d: {  	s5 =	simm.s32 @p1 $0x1;
	p0 =	seq.s32 s7, s2  }
0x1e: {  	s7 =	smul.u32 @!p0 $0xF7A, s2;
	p2 =	seq.s32 @!p0 s5, $0x0  }
0x1f: {  	s9 =	smul.u32 $0xF7A, s1;
	s8 =	simm.s32 @!p0 $0x1BF5;
	p2 =	por !p2, p0  }
0x20: {  	[sflag:s8] =	ssyncset.s32 @!p0 $0xFFFFF086;
	s6 =	sadd.s32 @!p0 s3, s7;
	s7 =	simm.s32 @!p0 $0x108  }
0x21: {  	s3 =	sadd.s32 s3, s9;
	s6 =	sadd.s32 @!p0 $0x88, s6;
	s7 =	simm.s32 @p2 $0x1082  }
0x22: {  	[simem:s7], [sflag:s8] =	dma.local @!p0 [hbm:s6], $0xF7A  }
0x23: {  	s9 =	sor.u32 $0xD0000000, s2;
	s6 =	simm.s32 $0x108;
	_ =	swait.ge @!p0 [sflag:s8], $0x0  }
0x24: {  	s3 =	sadd.s32 $0x88, s3;
	s6 =	simm.s32 @!p1 $0x1082;
	[sflag:s4] =	ssyncset.s32 $0xFFFFF086  }
0x25: {  	[simem:s6], [sflag:s4] =	dma.local [hbm:s3], $0xF7A  }
0x26: {  	[smem:$0x3F9F] =	sst s1;
	(tag) =	ssettag s2;
	_ =	strace s9  }
0x27: {  	s1 =	sld [smem:$0x3FAF]  }
0x28: {  	s2 =	sld [smem:$0x3FB0]  }
0x29: {  	s4 =	sld [smem:$0x3FB2]  }
0x2a: {  	p0 =	seq.s32 s5, $0x0;
	s5 =	sld [smem:$0x3FB3]  }
0x2b: {  	s6 =	sld [smem:$0x3FB4]  }
0x2c: {  	s7 =	sld [smem:$0x3FB5]  }
0x2d: {  	s3 =	simm.s32 $0x108;
	s8 =	sld [smem:$0x3FB6]  }
0x2e: {  	s3 =	simm.s32 @!p0 $0x1082;
	s9 =	sld [smem:$0x3FB7]  }
0x2f: {  	lr =	sadd.s32 s0, s3;
	s0 =	sld [smem:$0x3FAE]  }
0x30: {  	s3 =	sld [smem:$0x3FB1]  }
0x31: {  	[smem:$0x3FBA] =	sst s10  }
0x32: {  	s10 =	sld [smem:$0x3FB8];
	_ =	sdelay $0x3  }
0x33: {  	p0 =	seq.s32 s10, $0x1;
	s10 =	sld [smem:$0x3FBA];
	_ =	sdelay $0x3  }
0x34: {  	[smem:$0x3FBA] =	sst s10  }
0x35: {  	s10 =	sld [smem:$0x3FB9];
	_ =	sdelay $0x3  }
0x36: {  	p1 =	seq.s32 s10, $0x1;
	s10 =	sld [smem:$0x3FBA];
	_ =	sdelay $0x3  }
0x37: {  	[smem:$0x3FBA] =	sst s10  }
0x38: {  	s10 =	sld [smem:$0x3FBB]  }
0x39: {  	_ = 	snop;
	(pc) =	sbr.ind lr, $3  }
0x3a: {  	_ = 	snop  }
0x3b: {  	_ = 	snop  }
0x3c: {  	p2 =	seq.s32 s10, $0x1;
	s10 =	sld [smem:$0x3FBA]  }
0x3d: {  	_ =	shalt  }
0x3e: {  	_ =	shalt  }
0x3f: {  	_ =	shalt  }
0x40: {  	_ =	shalt  }
0x41: {  	_ =	shalt  }
0x42: {  	_ =	shalt  }
0x43: {  	_ =	shalt  }
0x44: {  	_ =	shalt  }
0x45: {  	_ =	shalt  }
0x46: {  	_ =	shalt  }
0x47: {  	_ =	shalt  }
0x48: {  	_ =	shalt  }
0x49: {  	_ =	shalt  }
0x4a: {  	_ =	shalt  }
0x4b: {  	_ =	shalt  }
0x4c: {  	_ =	shalt  }
0x4d: {  	_ =	shalt  }
0x4e: {  	_ =	shalt  }
0x4f: {  	_ =	shalt  }
0x50: {  	_ =	shalt  }
0x51: {  	_ =	shalt  }
0x52: {  	_ =	shalt  }
0x53: {  	_ =	shalt  }
0x54: {  	_ =	shalt  }
0x55: {  	_ =	shalt  }
0x56: {  	_ =	shalt  }
0x57: {  	_ =	shalt  }
0x58: {  	_ =	shalt  }
0x59: {  	_ =	shalt  }
0x5a: {  	_ =	shalt  }
0x5b: {  	_ =	shalt  }
0x5c: {  	_ =	shalt  }
0x5d: {  	_ =	shalt  }
0x5e: {  	_ =	shalt  }
0x5f: {  	_ =	shalt  }
0x60: {  	_ =	shalt  }
0x61: {  	_ =	shalt  }
0x62: {  	_ =	shalt  }
0x63: {  	_ =	shalt  }
0x64: {  	_ =	shalt  }
0x65: {  	_ =	shalt  }
0x66: {  	_ =	shalt  }
0x67: {  	_ =	shalt  }
0x68: {  	_ =	shalt  }
0x69: {  	_ =	shalt  }
0x6a: {  	_ =	shalt  }
0x6b: {  	_ =	shalt  }
0x6c: {  	_ =	shalt  }
0x6d: {  	_ =	shalt  }
0x6e: {  	_ =	shalt  }
0x6f: {  	_ =	shalt  }
0x70: {  	_ =	shalt  }
0x71: {  	_ =	shalt  }
0x72: {  	_ =	shalt  }
0x73: {  	_ =	shalt  }
0x74: {  	_ =	shalt  }
0x75: {  	_ =	shalt  }
0x76: {  	_ =	shalt  }
0x77: {  	_ =	shalt  }
0x78: {  	_ =	shalt  }
0x79: {  	_ =	shalt  }
0x7a: {  	_ =	shalt  }
0x7b: {  	_ =	shalt  }
0x7c: {  	_ =	shalt  }
0x7d: {  	_ =	shalt  }
0x7e: {  	_ =	shalt  }
0x7f: {  	_ =	shalt  }
0x80: {  	_ =	shalt  }
0x81: {  	_ =	shalt  }
0x82: {  	_ =	shalt  }
0x83: {  	_ =	shalt  }
0x84: {  	_ =	shalt  }
0x85: {  	_ =	shalt  }
0x86: {  	_ =	shalt  }
0x87: {  	_ =	shalt  }
.Lfunc_end0:
.L_simem_size_0:
called_computation.1_lowered:
.L_overlay_start_0:
0x88: {  	s2 =	sld [smem:$0x3FD9]  }
0x89: {  	s3 =	sld [smem:$0x3FFE];
	_ =	sdelay $0x1  }
0x8a: {  	s1 =	srdreg.scid  }
0x8b: {  	s0 =	sand.u32 $0x1, s1  }
0x8c: {  	s16 =	sshll.u32 s0, $0xA;
	s2 =	sadd.s32 s3, s2  }
0x8d: {  	s2 =	sadd.s32 s2, s16  }
0x8e: {  	[smem:$0x3FC6] =	sst s2  }
0x8f: {  	_ = 	snop  }
0x90: {  	(tm) =	ssettm $0x1  }
0x91: {  	s17 =	sld [smem:$0x3FFB];
	_ =	sdelay $0x3  }
0x92: {  	_ =	strace s17  }
0x93: {  	s2 =	sld [smem:$0x3FFC];
	_ =	sdelay $0x3  }
0x94: {  	_ =	strace s2  }
0x95: {  	s2 =	sld [smem:$0x3FFD];
	_ =	sdelay $0x3  }
0x96: {  	_ =	strace s2  }
0x97: {  	_ =	strace $0x8FFFFFFF  }
0x98: {  	s18 =	sld [smem:$0x3FDB];
	_ =	sdelay $0x1  }
0x99: {  	s19 =	simm.s32 $_scs_section_size  }
0x9a: {  	s4 =	simm.s32 $_size__tile_overlayer_lowered;
	s5 =	simm.s32 $_tile_overlayer_lowered  }
0x9b: {  	s22 =	simm.s32 $0x1BFF;
	s21 =	sshll.u32 s5, $0x1;
	s2 =	sadd.s32 s19, s18  }
0x9c: {  	s6 =	simm.s32 $0x0;
	s20 =	sshll.u32 s4, $0x1;
	s4 =	sadd.s32 s21, s2  }
0x9d: {  	[timem:s6], [sflag:s22] =	dma.local [hbm:s4], s20  }
0x9e: {  	_ =	swait.ge [sflag:s22], s20  }
0x9f: {  	s3 =	ssub.s32 $0x0, s20;
	[sflag:s22] =	ssyncset.done $0x0  }
0xa0: {  	[sflag:s22] =	ssyncadd.s32 s3;
	_ =	sdelay $0x1  }
0xa1: {  	s23 =	simm.s32 $0x1B8B  }
0xa2: {  	_ =	swait.ge [sflag:s23], $0x1  }
0xa3: {  	[sflag:s23] =	ssyncset.done $0x0  }
0xa4: {  	s25 =	simm.s32 $0x1B8E;
	s24 =	sld [smem:$0x3FFE];
	[sflag:s23] =	ssyncadd.s32 $0xFFFFFFFF  }
0xa5: {  	s26 =	simm.s32 $execute0_lowered;
	[smem:$0x3FD2] =	sst s25  }
0xa6: {  	s4 =	sshll.u32 s26, $0x1;
	_ =	strace $0x80000046;
	[dreg:$0x1] =	wrdreg $0xFFFFFFFF  }
0xa7: {  	s28 =	simm.s32 $_size_execute0_lowered;
	s2 =	sadd.s32 s2, s4;
	[dreg:$0x0] =	wrdreg $0x0  }
0xa8: {  	s4 =	sshll.u32 s28, $0x1;
	[dreg:$0x2] =	wrdreg s2  }
0xa9: {  	[dreg:$0x3] =	wrdreg s4  }
0xaa: {  	[dreg:$0x4] =	wrdreg $0xC0  }
0xab: {  	_ =	task [dreg:s6], $0x5FFFF  }
0xac: {  	[dreg:$0x1] =	wrdreg $0xFFFFFFFF  }
0xad: {  	[dreg:$0x0] =	wrdreg $0x60  }
0xae: {  	[dreg:$0x2] =	wrdreg s24  }
0xaf: {  	[dreg:$0x3] =	wrdreg $0x9  }
0xb0: {  	_ =	task.clear_ibuf [dreg:s6], $0x4FFFF;
	_ =	strace $0x90000046  }
0xb1: {  	s29 =	simm.s32 $0x9;
	_ =	strace $0x80000048  }
0xb2: {  	_ =	swait.ge [sflag:s29], $0x1  }
0xb3: {  	[sflag:s29] =	ssyncadd.s32 $0xFFFFFFFF  }
0xb4: {  	_ =	strace $0x90000048  }
0xb5: {  	_ =	sfence  }
0xb6: {  	s30 =	sld [smem:$0x0];
	_ =	sdelay $0x2  }
0xb7: {  	s31 =	sshll.u32 s1, $0xD;
	s1 =	sshrl.u32 s1, $0x2  }
0xb8: {  	s3 =	sand.u32 $0x4000, s31;
	s1 =	sadd.s32 s1, s30  }
0xb9: {  	s0 =	sor.u32 s3, s0;
	s1 =	sshll.u32 s1, $0x11  }
0xba: {  	s0 =	sor.u32 s1, s0  }
0xbb: {  	s0 =	sadd.s32 $0x8F2B, s0  }
0xbc: {  	[sflag:s0] =	ssyncadd.remote.s32 $0x1  }
0xbd: {  	_ =	sfence.sel $0xFFFF  }
0xbe: {  	[dreg:$0x0] =	wrdreg $0xFFFFFFFF;
	(pc) =	sbr.abs _section_cstart, $3  }
0xbf: {  	[dreg:$0x1] =	wrdreg $0xFFFFFFFF  }
0xc0: {  	_ =	task.clear_ibuf [dreg:s6], $0x2FFFF;
	_ =	strace $0x9FFFFFFF  }
0xc1: {  	(tm) =	ssettm $0x7FFFFFFF  }
tec
execute0_lowered:
.L_overlay_start_1:
0x0: {  	(tag) =	ssettag $0x1  }
0x1: {  	s4 =	rddreg [dreg:$0x0];
	s2 =	simm.s32 $0x0;
	s3 =	srdreg.scid  }
0x2: {  	s0 =	stileid.u32;
	s30 =	simm.s32 $0x100;
	s15 =	simm.s32 $0x180  }
0x3: {  	s16 =	simm.s32 $0x200;
	s17 =	simm.s32 $0x280;
	s18 =	simm.s32 $0x300  }
0x4: {  	s19 =	simm.s32 $0x380;
	s20 =	simm.s32 $0x480;
	s31 =	simm.s32 $0x780  }
0x5: {  	[smem:$0x7FF] =	sst s2;
	s8 =	sand.u32 $0x1, s3;
	s21 =	sshll.u32 s0, $0x1  }
0x6: {  	s9 =	sadd.s32 $0x800, s4;
	s3 =	sadd.s32 $0x64800, s4;
	s11 =	smul.u32 $0x1900000, s0  }
0x7: {  	s13 =	smul.u32 $0x6400, s0;
	_ =	strace $0x80000047;
	[dreg:$0x3] =	wrdreg s30  }
0x8: {  	s10 =	sadd.s32 $0xFA6C00, s4;
	s14 =	smul.u32 $0x320000, s0;
	[dreg:$0x4] =	wrdreg s15  }
0x9: {  	s5 =	sor.u32 s8, s21;
	s12 =	smul.u32 $0xC80000, s8;
	[dreg:$0x5] =	wrdreg s16  }
0xa: {  	s22 =	ssub.s32 $0x2, s8;
	s25 =	smul.u32 $0x3200, s8;
	[dreg:$0x6] =	wrdreg s17  }
0xb: {  	s26 =	smul.u32 $0x190000, s8;
	s15 =	simm.s32 $0x800;
	[dreg:$0x7] =	wrdreg s18  }
0xc: {  	s16 =	simm.s32 $0xC800;
	s17 =	simm.s32 $0x4;
	[dreg:$0x8] =	wrdreg s19  }
0xd: {  	s18 =	simm.s32 $0x4800;
	s19 =	simm.s32 $0x7;
	[dreg:$0x9] =	wrdreg s20  }
0xe: {  	s21 =	simm.s32 $0x500;
	s20 =	simm.s32 $0x5;
	s6 =	smul.u32 $0xC80000, s5  }
0xf: {  	[dreg:$0xf] =	wrdreg s31;
	s5 =	smul.u32 $0x3200, s5;
	s7 =	sshrl.u32 s22, $0x1  }
0x10: {  	s29 =	sadd.s32 s14, s10;
	s14 =	simm.s32 $0x3;
	[dreg:$0xa] =	wrdreg s21  }
0x11: {  	s21 =	simm.s32 $0x8;
	s7 =	ssub.s32 s22, s7;
	s11 =	sadd.s32 s12, s11  }
0x12: {  	s12 =	simm.s32 $0x80;
	s22 =	simm.s32 $0x580;
	s6 =	sshrl.u32 s6, $0x3  }
0x13: {  	s1 =	sadd.s32 s9, s5;
	s7 =	smax.u32 s7, $0x1;
	s11 =	sshrl.u32 s11, $0x3  }
0x14: {  	s9 =	sadd.s32 s13, s9;
	s13 =	simm.s32 $0x8800;
	[dreg:$0xb] =	wrdreg s22  }
0x15: {  	s22 =	simm.s32 $0x6;
	s6 =	sadd.s32 s10, s6;
	[dreg:$0x10] =	wrdreg s1  }
0x16: {  	s11 =	sadd.s32 s11, s10;
	s28 =	sadd.s32 s25, s9;
	s9 =	sadd.s32 s26, s29  }
0x17: {  	s10 =	simm.s32 $0x1;
	s25 =	simm.s32 $0x700;
	[dreg:$0x2] =	wrdreg s11  }
0x18: {  	s26 =	simm.s32 $0x0;
	s23 =	sadd.s32 $0x18F000, s6;
	[dreg:$0xe] =	wrdreg s25  }
0x19: {  	s24 =	sadd.s32 $0x18F800, s6;
	s8 =	sadd.s32 $0x100, s28;
	[dreg:$0x11] =	wrdreg s23  }
0x1a: {  	s11 =	simm.s32 $0x400;
	[dreg:$0x12] =	wrdreg s24;
	s23 =	simm.s32 $0x600  }
0x1b: {  	s25 =	simm.s32 $0x2;
	s24 =	simm.s32 $0x680;
	[dreg:$0xc] =	wrdreg s23  }
0x1c: {  	s23 =	simm.s32 $0x9;
	[dreg:$0xd] =	wrdreg s24;
	s24 =	simm.s32 $0xA  }
.LBB2_1:
0x1d: {  	s0 =	rddreg [dreg:$0x10]  }
0x1e: {  	[tilespmem:s2], [sflag:$0x1] =	stream.linear.gather [hbm4b:s0+s2], $0x400, $0x38;
	[tilespmem:$0x10800] =	vst v63  }
0x1f: {  	_ =	swait.ge [sflag:s10], $0x400  }
0x20: {  	p0 =	por $0x0, $0x0;
	[sflag:s10] =	ssyncset.done $0x0  }
0x21: {  	s28 =	simm.s32 @p0 $0x7;
	[sflag:s10] =	ssyncadd.s32 $0xFFFFFC00  }
0x22: {  	_ =	swait.ge @p0 [sflag:s28], $0x4000  }
0x23: {  	s29 =	simm.s32 @p0 $0x800;
	s30 =	simm.s32 @p0 $0x5;
	[sflag:s28] =	ssyncset.done @p0 $0x0  }
0x24: {  	s31 =	simm.s32 @p0 $0x0;
	[sflag:s28] =	ssyncadd.s32 @p0 $0xFFFFC000;
	s28 =	simm.s32 @p0 $0x80  }
0x25: {  	[tilespmem:s29], [sflag:$0x3] =	stream.indirect.gather @p0 [hbm4b:s3+s28], $0x80, s31, s28, $0xb8;
	[tilespmem:$0x10800] =	vst v63  }
0x26: {  	_ =	swait.ge @p0 [sflag:s30], $0x4000  }
0x27: {  	s29 =	sadd.s32 @p0 $0x0, s9;
	[sflag:s30] =	ssyncset.done @p0 $0x0  }
0x28: {  	s0 =	sadd.s32 @p0 $0xFFFFF000, s29;
	[sflag:s30] =	ssyncadd.s32 @p0 $0xFFFFC000;
	s30 =	simm.s32 @p0 $0x8800  }
0x29: {  	[hbm4b:s0+s31] =	stream.linear.scatter @p0 [tilespmem:s30], [sflag:$0x9], $0x4000, $0x38;
	[tilespmem:$0x10800] =	vst v63  }
0x2a: {  	s0 =	simm.s32 @p0 $0x8  }
0x2b: {  	_ =	swait.ge @p0 [sflag:s0], $0x4000  }
0x2c: {  	[sflag:s0] =	ssyncset.done @p0 $0x0  }
0x2d: {  	[sflag:s0] =	ssyncadd.s32 @p0 $0xFFFFC000;
	s0 =	simm.s32 @p0 $0x4800  }
0x2e: {  	[tilespmem:s0], [sflag:$0x4] =	stream.indirect.gather @p0 [hbm4b:s3+s28], $0x80, s28, s28, $0xb8;
	[tilespmem:$0x10800] =	vst v63  }
0x2f: {  	s0 =	simm.s32 @p0 $0x6  }
0x30: {  	_ =	swait.ge @p0 [sflag:s0], $0x4000  }
0x31: {  	[sflag:s0] =	ssyncset.done @p0 $0x0  }
0x32: {  	s28 =	sadd.s32 @p0 $0xFFFFF800, s29;
	[sflag:s0] =	ssyncadd.s32 @p0 $0xFFFFC000;
	s0 =	simm.s32 @p0 $0xC800  }
0x33: {  	[hbm4b:s28+s31] =	stream.linear.scatter @p0 [tilespmem:s0], [sflag:$0xA], $0x4000, $0x38;
	[tilespmem:$0x10800] =	vst v63  }
0x34: {  	s29 =	simm.s32 @!p0 $0x800;
	s0 =	simm.s32 @!p0 $0x80;
	s28 =	simm.s32 @!p0 $0x0  }
0x35: {  	[tilespmem:s29], [sflag:$0x3] =	stream.indirect.gather @!p0 [hbm4b:s3+s0], $0x80, s28, s0, $0xb8;
	[tilespmem:$0x10800] =	vst v63  }
0x36: {  	s28 =	simm.s32 @!p0 $0x4800  }
0x37: {  	[tilespmem:s28], [sflag:$0x4] =	stream.indirect.gather @!p0 [hbm4b:s3+s0], $0x80, s0, s0, $0xb8;
	[tilespmem:$0x10800] =	vst v63  }
0x38: {  	p0 =	por $0x1, $0x1  }
0x39: {  	s31 =	sadd.s32 $0xFFFFFF80, s8;
	s0 =	simm.s32 @!p0 $0x9  }
0x3a: {  	[tilespmem:s11], [sflag:$0x2] =	stream.linear.gather [hbm4b:s31+s2], $0x400, $0x38;
	[tilespmem:$0x10800] =	vst v63  }
0x3b: {  	_ =	swait.ge @!p0 [sflag:s0], $0x4000  }
0x3c: {  	[sflag:s0] =	ssyncset.done @!p0 $0x0  }
0x3d: {  	s28 =	rddreg [dreg:$0x3];
	[sflag:s0] =	ssyncadd.s32 @!p0 $0xFFFFC000  }
0x3e: {  	[tilespmem:s13], [sflag:$0x5] =	stream.indirect.gather [hbm4b:s3+s12], $0x80, s28, s12, $0xb8;
	[tilespmem:$0x10800] =	vst v63  }
0x3f: {  	_ =	swait.ge [sflag:s14], $0x4000  }
0x40: {  	s1 =	rddreg [dreg:$0x2];
	[sflag:s14] =	ssyncset.done $0x0  }
0x41: {  	s28 =	simm.s32 @!p0 $0xA;
	[sflag:s14] =	ssyncadd.s32 $0xFFFFC000;
	s0 =	sadd.s32 $0x0, s1  }
0x42: {  	[hbm4b:s0+s2] =	stream.linear.scatter [tilespmem:s15], [sflag:$0x7], $0x4000, $0x38;
	[tilespmem:$0x10800] =	vst v63  }
0x43: {  	_ =	swait.ge @!p0 [sflag:s28], $0x4000  }
0x44: {  	[sflag:s28] =	ssyncset.done @!p0 $0x0  }
0x45: {  	s4 =	rddreg [dreg:$0x4];
	[sflag:s28] =	ssyncadd.s32 @!p0 $0xFFFFC000  }
0x46: {  	[tilespmem:s16], [sflag:$0x6] =	stream.indirect.gather [hbm4b:s3+s12], $0x80, s4, s12, $0xb8;
	[tilespmem:$0x10800] =	vst v63  }
0x47: {  	_ =	swait.ge [sflag:s17], $0x4000  }
0x48: {  	s29 =	sadd.s32 $0x0, s9;
	[sflag:s17] =	ssyncset.done $0x0  }
0x49: {  	s5 =	sadd.s32 $0x800, s29;
	[sflag:s17] =	ssyncadd.s32 $0xFFFFC000  }
0x4a: {  	[hbm4b:s5+s2] =	stream.linear.scatter [tilespmem:s18], [sflag:$0x8], $0x4000, $0x38;
	[tilespmem:$0x10800] =	vst v63  }
0x4b: {  	_ =	swait.ge [sflag:s19], $0x4000  }
0x4c: {  	[sflag:s19] =	ssyncset.done $0x0  }
0x4d: {  	s6 =	rddreg [dreg:$0x5];
	[sflag:s19] =	ssyncadd.s32 $0xFFFFC000  }
0x4e: {  	[tilespmem:s15], [sflag:$0x3] =	stream.indirect.gather [hbm4b:s3+s12], $0x80, s6, s12, $0xb8;
	[tilespmem:$0x10800] =	vst v63  }
0x4f: {  	_ =	swait.ge [sflag:s20], $0x4000  }
0x50: {  	[sflag:s20] =	ssyncset.done $0x0  }
0x51: {  	s31 =	sadd.s32 $0x1000, s29;
	[sflag:s20] =	ssyncadd.s32 $0xFFFFC000  }
0x52: {  	[hbm4b:s31+s2] =	stream.linear.scatter [tilespmem:s13], [sflag:$0x9], $0x4000, $0x38;
	[tilespmem:$0x10800] =	vst v63  }
0x53: {  	_ =	swait.ge [sflag:s21], $0x4000  }
0x54: {  	[sflag:s21] =	ssyncset.done $0x0  }
0x55: {  	s1 =	rddreg [dreg:$0x6];
	[sflag:s21] =	ssyncadd.s32 $0xFFFFC000  }
0x56: {  	[tilespmem:s18], [sflag:$0x4] =	stream.indirect.gather [hbm4b:s3+s12], $0x80, s1, s12, $0xb8;
	[tilespmem:$0x10800] =	vst v63  }
0x57: {  	_ =	swait.ge [sflag:s22], $0x4000  }
0x58: {  	[sflag:s22] =	ssyncset.done $0x0  }
0x59: {  	s4 =	sadd.s32 $0x1800, s29;
	[sflag:s22] =	ssyncadd.s32 $0xFFFFC000  }
0x5a: {  	[hbm4b:s4+s2] =	stream.linear.scatter [tilespmem:s16], [sflag:$0xA], $0x4000, $0x38;
	[tilespmem:$0x10800] =	vst v63  }
0x5b: {  	_ =	swait.ge [sflag:s23], $0x4000  }
0x5c: {  	[sflag:s23] =	ssyncset.done $0x0  }
0x5d: {  	s5 =	rddreg [dreg:$0x7];
	[sflag:s23] =	ssyncadd.s32 $0xFFFFC000  }
0x5e: {  	[tilespmem:s13], [sflag:$0x5] =	stream.indirect.gather [hbm4b:s3+s12], $0x80, s5, s12, $0xb8;
	[tilespmem:$0x10800] =	vst v63  }
0x5f: {  	_ =	swait.ge [sflag:s14], $0x4000  }
0x60: {  	[sflag:s14] =	ssyncset.done $0x0  }
0x61: {  	s6 =	sadd.s32 $0x2000, s29;
	[sflag:s14] =	ssyncadd.s32 $0xFFFFC000  }
0x62: {  	[hbm4b:s6+s2] =	stream.linear.scatter [tilespmem:s15], [sflag:$0x7], $0x4000, $0x38;
	[tilespmem:$0x10800] =	vst v63  }
0x63: {  	_ =	swait.ge [sflag:s24], $0x4000  }
0x64: {  	[sflag:s24] =	ssyncset.done $0x0  }
0x65: {  	s31 =	rddreg [dreg:$0x8];
	[sflag:s24] =	ssyncadd.s32 $0xFFFFC000  }
0x66: {  	[tilespmem:s16], [sflag:$0x6] =	stream.indirect.gather [hbm4b:s3+s12], $0x80, s31, s12, $0xb8;
	[tilespmem:$0x10800] =	vst v63  }
0x67: {  	_ =	swait.ge [sflag:s17], $0x4000  }
0x68: {  	[sflag:s17] =	ssyncset.done $0x0  }
0x69: {  	s1 =	sadd.s32 $0x2800, s29;
	[sflag:s17] =	ssyncadd.s32 $0xFFFFC000  }
0x6a: {  	[hbm4b:s1+s2] =	stream.linear.scatter [tilespmem:s18], [sflag:$0x8], $0x4000, $0x38;
	[tilespmem:$0x10800] =	vst v63  }
0x6b: {  	_ =	swait.ge [sflag:s25], $0x400  }
0x6c: {  	[sflag:s25] =	ssyncset.done $0x0  }
0x6d: {  	[sflag:s25] =	ssyncadd.s32 $0xFFFFFC00  }
0x6e: {  	_ =	swait.ge [sflag:s19], $0x4000  }
0x6f: {  	[sflag:s19] =	ssyncset.done $0x0  }
0x70: {  	[sflag:s19] =	ssyncadd.s32 $0xFFFFC000  }
0x71: {  	[tilespmem:s15], [sflag:$0x3] =	stream.indirect.gather [hbm4b:s3+s12], $0x80, s11, s12, $0xb8;
	[tilespmem:$0x10800] =	vst v63  }
0x72: {  	_ =	swait.ge [sflag:s20], $0x4000  }
0x73: {  	[sflag:s20] =	ssyncset.done $0x0  }
0x74: {  	s4 =	sadd.s32 $0x3000, s29;
	[sflag:s20] =	ssyncadd.s32 $0xFFFFC000  }
0x75: {  	[hbm4b:s4+s2] =	stream.linear.scatter [tilespmem:s13], [sflag:$0x9], $0x4000, $0x38;
	[tilespmem:$0x10800] =	vst v63  }
0x76: {  	_ =	swait.ge [sflag:s21], $0x4000  }
0x77: {  	[sflag:s21] =	ssyncset.done $0x0  }
0x78: {  	s5 =	rddreg [dreg:$0x9];
	[sflag:s21] =	ssyncadd.s32 $0xFFFFC000  }
0x79: {  	[tilespmem:s18], [sflag:$0x4] =	stream.indirect.gather [hbm4b:s3+s12], $0x80, s5, s12, $0xb8;
	[tilespmem:$0x10800] =	vst v63  }
0x7a: {  	_ =	swait.ge [sflag:s22], $0x4000  }
0x7b: {  	[sflag:s22] =	ssyncset.done $0x0  }
0x7c: {  	p0 =	por $0x0, $0x0;
	s6 =	sadd.s32 $0x3800, s29;
	[sflag:s22] =	ssyncadd.s32 $0xFFFFC000  }
0x7d: {  	[hbm4b:s6+s2] =	stream.linear.scatter [tilespmem:s16], [sflag:$0xA], $0x4000, $0x38;
	[tilespmem:$0x10800] =	vst v63  }
0x7e: {  	s0 =	simm.s32 @!p0 $0x0  }
0x7f: {  	[tilespmem:s0], [sflag:$0x1] =	stream.linear.gather @!p0 [hbm4b:s8+s0], $0x400, $0x38;
	[tilespmem:$0x10800] =	vst v63  }
0x80: {  	_ =	swait.ge [sflag:s23], $0x4000  }
0x81: {  	[sflag:s23] =	ssyncset.done $0x0  }
0x82: {  	s31 =	rddreg [dreg:$0xa];
	[sflag:s23] =	ssyncadd.s32 $0xFFFFC000  }
0x83: {  	[tilespmem:s13], [sflag:$0x5] =	stream.indirect.gather [hbm4b:s3+s12], $0x80, s31, s12, $0xb8;
	[tilespmem:$0x10800] =	vst v63  }
0x84: {  	_ =	swait.ge [sflag:s14], $0x4000  }
0x85: {  	[sflag:s14] =	ssyncset.done $0x0  }
0x86: {  	s1 =	sadd.s32 $0x4000, s29;
	[sflag:s14] =	ssyncadd.s32 $0xFFFFC000  }
0x87: {  	[hbm4b:s1+s2] =	stream.linear.scatter [tilespmem:s15], [sflag:$0x7], $0x4000, $0x38;
	[tilespmem:$0x10800] =	vst v63  }
0x88: {  	_ =	swait.ge [sflag:s24], $0x4000  }
0x89: {  	[sflag:s24] =	ssyncset.done $0x0  }
0x8a: {  	s4 =	rddreg [dreg:$0xb];
	[sflag:s24] =	ssyncadd.s32 $0xFFFFC000  }
0x8b: {  	[tilespmem:s16], [sflag:$0x6] =	stream.indirect.gather [hbm4b:s3+s12], $0x80, s4, s12, $0xb8;
	[tilespmem:$0x10800] =	vst v63  }
0x8c: {  	_ =	swait.ge [sflag:s17], $0x4000  }
0x8d: {  	[sflag:s17] =	ssyncset.done $0x0  }
0x8e: {  	s5 =	sadd.s32 $0x4800, s29;
	[sflag:s17] =	ssyncadd.s32 $0xFFFFC000  }
0x8f: {  	[hbm4b:s5+s2] =	stream.linear.scatter [tilespmem:s18], [sflag:$0x8], $0x4000, $0x38;
	[tilespmem:$0x10800] =	vst v63  }
0x90: {  	_ =	swait.ge [sflag:s19], $0x4000  }
0x91: {  	[sflag:s19] =	ssyncset.done $0x0  }
0x92: {  	s6 =	rddreg [dreg:$0xc];
	[sflag:s19] =	ssyncadd.s32 $0xFFFFC000  }
0x93: {  	[tilespmem:s15], [sflag:$0x3] =	stream.indirect.gather [hbm4b:s3+s12], $0x80, s6, s12, $0xb8;
	[tilespmem:$0x10800] =	vst v63  }
0x94: {  	_ =	swait.ge [sflag:s20], $0x4000  }
0x95: {  	[sflag:s20] =	ssyncset.done $0x0  }
0x96: {  	s31 =	sadd.s32 $0x5000, s29;
	[sflag:s20] =	ssyncadd.s32 $0xFFFFC000  }
0x97: {  	[hbm4b:s31+s2] =	stream.linear.scatter [tilespmem:s13], [sflag:$0x9], $0x4000, $0x38;
	[tilespmem:$0x10800] =	vst v63  }
0x98: {  	_ =	swait.ge [sflag:s21], $0x4000  }
0x99: {  	[sflag:s21] =	ssyncset.done $0x0  }
0x9a: {  	s1 =	rddreg [dreg:$0xd];
	[sflag:s21] =	ssyncadd.s32 $0xFFFFC000  }
0x9b: {  	[tilespmem:s18], [sflag:$0x4] =	stream.indirect.gather [hbm4b:s3+s12], $0x80, s1, s12, $0xb8;
	[tilespmem:$0x10800] =	vst v63  }
0x9c: {  	_ =	swait.ge [sflag:s22], $0x4000  }
0x9d: {  	[sflag:s22] =	ssyncset.done $0x0  }
0x9e: {  	s4 =	sadd.s32 $0x5800, s29;
	[sflag:s22] =	ssyncadd.s32 $0xFFFFC000  }
0x9f: {  	[hbm4b:s4+s2] =	stream.linear.scatter [tilespmem:s16], [sflag:$0xA], $0x4000, $0x38;
	[tilespmem:$0x10800] =	vst v63  }
0xa0: {  	_ =	swait.ge [sflag:s23], $0x4000  }
0xa1: {  	[sflag:s23] =	ssyncset.done $0x0  }
0xa2: {  	s5 =	rddreg [dreg:$0xe];
	[sflag:s23] =	ssyncadd.s32 $0xFFFFC000  }
0xa3: {  	[tilespmem:s13], [sflag:$0x5] =	stream.indirect.gather [hbm4b:s3+s12], $0x80, s5, s12, $0xb8;
	[tilespmem:$0x10800] =	vst v63  }
0xa4: {  	_ =	swait.ge [sflag:s14], $0x4000  }
0xa5: {  	[sflag:s14] =	ssyncset.done $0x0  }
0xa6: {  	s6 =	sadd.s32 $0x6000, s29;
	[sflag:s14] =	ssyncadd.s32 $0xFFFFC000  }
0xa7: {  	[hbm4b:s6+s2] =	stream.linear.scatter [tilespmem:s15], [sflag:$0x7], $0x4000, $0x38;
	[tilespmem:$0x10800] =	vst v63  }
0xa8: {  	_ =	swait.ge [sflag:s24], $0x4000  }
0xa9: {  	[sflag:s24] =	ssyncset.done $0x0  }
0xaa: {  	s31 =	rddreg [dreg:$0xf];
	[sflag:s24] =	ssyncadd.s32 $0xFFFFC000  }
0xab: {  	[tilespmem:s16], [sflag:$0x6] =	stream.indirect.gather [hbm4b:s3+s12], $0x80, s31, s12, $0xb8;
	[tilespmem:$0x10800] =	vst v63  }
0xac: {  	s30 =	sadd.s32 $0x6800, s29;
	_ =	swait.ge [sflag:s17], $0x4000  }
0xad: {  	s28 =	simm.s32 $0x8000;
	s29 =	smov.u32 s8;
	[sflag:s17] =	ssyncset.done $0x0  }
.LBB2_2:
0xae: {  	[sflag:s17] =	ssyncadd.s32 $0xFFFFC000  }
0xaf: {  	[hbm4b:s30+s2] =	stream.linear.scatter [tilespmem:s18], [sflag:$0x8], $0x4000, $0x38;
	[tilespmem:$0x10800] =	vst v63  }
0xb0: {  	s31 =	smov.u32 s28;
	_ =	swait.ge [sflag:s10], $0x400  }
0xb1: {  	p1 =	sne.s32 s31, $0x0;
	[sflag:s10] =	ssyncset.done $0x0  }
0xb2: {  	s0 =	simm.s32 @p1 $0x7;
	[sflag:s10] =	ssyncadd.s32 $0xFFFFFC00  }
0xb3: {  	_ =	swait.ge @p1 [sflag:s0], $0x4000  }
0xb4: {  	s4 =	simm.s32 @p1 $0x800;
	s5 =	simm.s32 @p1 $0x5;
	[sflag:s0] =	ssyncset.done @p1 $0x0  }
0xb5: {  	s6 =	simm.s32 @p1 $0x0;
	[sflag:s0] =	ssyncadd.s32 @p1 $0xFFFFC000;
	s0 =	simm.s32 @p1 $0x80  }
0xb6: {  	[tilespmem:s4], [sflag:$0x3] =	stream.indirect.gather @p1 [hbm4b:s3+s0], $0x80, s6, s0, $0xb8;
	[tilespmem:$0x10800] =	vst v63  }
0xb7: {  	s30 =	sadd.s32 @p1 s31, s9;
	_ =	swait.ge @p1 [sflag:s5], $0x4000  }
0xb8: {  	s1 =	sadd.s32 @p1 $0xFFFFF000, s30;
	[sflag:s5] =	ssyncset.done @p1 $0x0  }
0xb9: {  	s4 =	simm.s32 @p1 $0x8800;
	[sflag:s5] =	ssyncadd.s32 @p1 $0xFFFFC000;
	s5 =	simm.s32 @p1 $0x8  }
0xba: {  	[hbm4b:s1+s6] =	stream.linear.scatter @p1 [tilespmem:s4], [sflag:$0x9], $0x4000, $0x38;
	[tilespmem:$0x10800] =	vst v63  }
0xbb: {  	_ =	swait.ge @p1 [sflag:s5], $0x4000  }
0xbc: {  	[sflag:s5] =	ssyncset.done @p1 $0x0  }
0xbd: {  	s1 =	simm.s32 @p1 $0x4800;
	s4 =	simm.s32 @p1 $0x6;
	[sflag:s5] =	ssyncadd.s32 @p1 $0xFFFFC000  }
0xbe: {  	[tilespmem:s1], [sflag:$0x4] =	stream.indirect.gather @p1 [hbm4b:s3+s0], $0x80, s0, s0, $0xb8;
	[tilespmem:$0x10800] =	vst v63  }
0xbf: {  	_ =	swait.ge @p1 [sflag:s4], $0x4000  }
0xc0: {  	[sflag:s4] =	ssyncset.done @p1 $0x0  }
0xc1: {  	s30 =	sadd.s32 @p1 $0xFFFFF800, s30;
	s0 =	simm.s32 @p1 $0xC800;
	[sflag:s4] =	ssyncadd.s32 @p1 $0xFFFFC000  }
0xc2: {  	[hbm4b:s30+s6] =	stream.linear.scatter @p1 [tilespmem:s0], [sflag:$0xA], $0x4000, $0x38;
	[tilespmem:$0x10800] =	vst v63  }
0xc3: {  	s1 =	simm.s32 @!p1 $0x0;
	s4 =	simm.s32 @!p1 $0x800;
	s0 =	simm.s32 @!p1 $0x80  }
0xc4: {  	[tilespmem:s4], [sflag:$0x3] =	stream.indirect.gather @!p1 [hbm4b:s3+s0], $0x80, s1, s0, $0xb8;
	[tilespmem:$0x10800] =	vst v63  }
0xc5: {  	s1 =	simm.s32 @!p1 $0x4800  }
0xc6: {  	[tilespmem:s1], [sflag:$0x4] =	stream.indirect.gather @!p1 [hbm4b:s3+s0], $0x80, s0, s0, $0xb8;
	[tilespmem:$0x10800] =	vst v63  }
0xc7: {  	s29 =	sadd.s32 $0x100, s29;
	p1 =	seq.s32 s31, $0x0  }
0xc8: {  	s1 =	sadd.s32 $0xFFFFFF80, s29;
	s0 =	simm.s32 @!p1 $0x9  }
0xc9: {  	[tilespmem:s11], [sflag:$0x2] =	stream.linear.gather [hbm4b:s1+s2], $0x400, $0x38;
	[tilespmem:$0x10800] =	vst v63  }
0xca: {  	_ =	swait.ge @!p1 [sflag:s0], $0x4000  }
0xcb: {  	[sflag:s0] =	ssyncset.done @!p1 $0x0  }
0xcc: {  	s4 =	rddreg [dreg:$0x3];
	[sflag:s0] =	ssyncadd.s32 @!p1 $0xFFFFC000  }
0xcd: {  	[tilespmem:s13], [sflag:$0x5] =	stream.indirect.gather [hbm4b:s3+s12], $0x80, s4, s12, $0xb8;
	[tilespmem:$0x10800] =	vst v63  }
0xce: {  	_ =	swait.ge [sflag:s14], $0x4000  }
0xcf: {  	s5 =	rddreg [dreg:$0x2];
	[sflag:s14] =	ssyncset.done $0x0  }
0xd0: {  	s1 =	simm.s32 @!p1 $0xA;
	[sflag:s14] =	ssyncadd.s32 $0xFFFFC000;
	s0 =	sadd.s32 s31, s5  }
0xd1: {  	[hbm4b:s0+s2] =	stream.linear.scatter [tilespmem:s15], [sflag:$0x7], $0x4000, $0x38;
	[tilespmem:$0x10800] =	vst v63  }
0xd2: {  	_ =	swait.ge @!p1 [sflag:s1], $0x4000  }
0xd3: {  	[sflag:s1] =	ssyncset.done @!p1 $0x0  }
0xd4: {  	s6 =	rddreg [dreg:$0x4];
	[sflag:s1] =	ssyncadd.s32 @!p1 $0xFFFFC000  }
0xd5: {  	[tilespmem:s16], [sflag:$0x6] =	stream.indirect.gather [hbm4b:s3+s12], $0x80, s6, s12, $0xb8;
	[tilespmem:$0x10800] =	vst v63  }
0xd6: {  	_ =	swait.ge [sflag:s17], $0x4000  }
0xd7: {  	s30 =	sadd.s32 s31, s9;
	[sflag:s17] =	ssyncset.done $0x0  }
0xd8: {  	s1 =	sadd.s32 $0x800, s30;
	[sflag:s17] =	ssyncadd.s32 $0xFFFFC000  }
0xd9: {  	[hbm4b:s1+s2] =	stream.linear.scatter [tilespmem:s18], [sflag:$0x8], $0x4000, $0x38;
	[tilespmem:$0x10800] =	vst v63  }
0xda: {  	_ =	swait.ge [sflag:s19], $0x4000  }
0xdb: {  	[sflag:s19] =	ssyncset.done $0x0  }
0xdc: {  	s4 =	rddreg [dreg:$0x5];
	[sflag:s19] =	ssyncadd.s32 $0xFFFFC000  }
0xdd: {  	[tilespmem:s15], [sflag:$0x3] =	stream.indirect.gather [hbm4b:s3+s12], $0x80, s4, s12, $0xb8;
	[tilespmem:$0x10800] =	vst v63  }
0xde: {  	_ =	swait.ge [sflag:s20], $0x4000  }
0xdf: {  	[sflag:s20] =	ssyncset.done $0x0  }
0xe0: {  	s5 =	sadd.s32 $0x1000, s30;
	[sflag:s20] =	ssyncadd.s32 $0xFFFFC000  }
0xe1: {  	[hbm4b:s5+s2] =	stream.linear.scatter [tilespmem:s13], [sflag:$0x9], $0x4000, $0x38;
	[tilespmem:$0x10800] =	vst v63  }
0xe2: {  	_ =	swait.ge [sflag:s21], $0x4000  }
0xe3: {  	[sflag:s21] =	ssyncset.done $0x0  }
0xe4: {  	s6 =	rddreg [dreg:$0x6];
	[sflag:s21] =	ssyncadd.s32 $0xFFFFC000  }
0xe5: {  	[tilespmem:s18], [sflag:$0x4] =	stream.indirect.gather [hbm4b:s3+s12], $0x80, s6, s12, $0xb8;
	[tilespmem:$0x10800] =	vst v63  }
0xe6: {  	_ =	swait.ge [sflag:s22], $0x4000  }
0xe7: {  	[sflag:s22] =	ssyncset.done $0x0  }
0xe8: {  	s1 =	sadd.s32 $0x1800, s30;
	[sflag:s22] =	ssyncadd.s32 $0xFFFFC000  }
0xe9: {  	[hbm4b:s1+s2] =	stream.linear.scatter [tilespmem:s16], [sflag:$0xA], $0x4000, $0x38;
	[tilespmem:$0x10800] =	vst v63  }
0xea: {  	_ =	swait.ge [sflag:s23], $0x4000  }
0xeb: {  	[sflag:s23] =	ssyncset.done $0x0  }
0xec: {  	s4 =	rddreg [dreg:$0x7];
	[sflag:s23] =	ssyncadd.s32 $0xFFFFC000  }
0xed: {  	[tilespmem:s13], [sflag:$0x5] =	stream.indirect.gather [hbm4b:s3+s12], $0x80, s4, s12, $0xb8;
	[tilespmem:$0x10800] =	vst v63  }
0xee: {  	_ =	swait.ge [sflag:s14], $0x4000  }
0xef: {  	[sflag:s14] =	ssyncset.done $0x0  }
0xf0: {  	s5 =	sadd.s32 $0x2000, s30;
	[sflag:s14] =	ssyncadd.s32 $0xFFFFC000  }
0xf1: {  	[hbm4b:s5+s2] =	stream.linear.scatter [tilespmem:s15], [sflag:$0x7], $0x4000, $0x38;
	[tilespmem:$0x10800] =	vst v63  }
0xf2: {  	_ =	swait.ge [sflag:s24], $0x4000  }
0xf3: {  	[sflag:s24] =	ssyncset.done $0x0  }
0xf4: {  	s6 =	rddreg [dreg:$0x8];
	[sflag:s24] =	ssyncadd.s32 $0xFFFFC000  }
0xf5: {  	[tilespmem:s16], [sflag:$0x6] =	stream.indirect.gather [hbm4b:s3+s12], $0x80, s6, s12, $0xb8;
	[tilespmem:$0x10800] =	vst v63  }
0xf6: {  	_ =	swait.ge [sflag:s17], $0x4000  }
0xf7: {  	[sflag:s17] =	ssyncset.done $0x0  }
0xf8: {  	s1 =	sadd.s32 $0x2800, s30;
	[sflag:s17] =	ssyncadd.s32 $0xFFFFC000  }
0xf9: {  	[hbm4b:s1+s2] =	stream.linear.scatter [tilespmem:s18], [sflag:$0x8], $0x4000, $0x38;
	[tilespmem:$0x10800] =	vst v63  }
0xfa: {  	_ =	swait.ge [sflag:s25], $0x400  }
0xfb: {  	[sflag:s25] =	ssyncset.done $0x0  }
0xfc: {  	[sflag:s25] =	ssyncadd.s32 $0xFFFFFC00  }
0xfd: {  	_ =	swait.ge [sflag:s19], $0x4000  }
0xfe: {  	[sflag:s19] =	ssyncset.done $0x0  }
0xff: {  	[sflag:s19] =	ssyncadd.s32 $0xFFFFC000  }
0x100: {  	[tilespmem:s15], [sflag:$0x3] =	stream.indirect.gather [hbm4b:s3+s12], $0x80, s11, s12, $0xb8;
	[tilespmem:$0x10800] =	vst v63  }
0x101: {  	_ =	swait.ge [sflag:s20], $0x4000  }
0x102: {  	[sflag:s20] =	ssyncset.done $0x0  }
0x103: {  	s4 =	sadd.s32 $0x3000, s30;
	[sflag:s20] =	ssyncadd.s32 $0xFFFFC000  }
0x104: {  	[hbm4b:s4+s2] =	stream.linear.scatter [tilespmem:s13], [sflag:$0x9], $0x4000, $0x38;
	[tilespmem:$0x10800] =	vst v63  }
0x105: {  	_ =	swait.ge [sflag:s21], $0x4000  }
0x106: {  	[sflag:s21] =	ssyncset.done $0x0  }
0x107: {  	s5 =	rddreg [dreg:$0x9];
	[sflag:s21] =	ssyncadd.s32 $0xFFFFC000  }
0x108: {  	[tilespmem:s18], [sflag:$0x4] =	stream.indirect.gather [hbm4b:s3+s12], $0x80, s5, s12, $0xb8;
	[tilespmem:$0x10800] =	vst v63  }
0x109: {  	_ =	swait.ge [sflag:s22], $0x4000  }
0x10a: {  	[sflag:s22] =	ssyncset.done $0x0  }
0x10b: {  	p1 =	seq.s32 s31, $0x188000;
	s6 =	sadd.s32 $0x3800, s30;
	[sflag:s22] =	ssyncadd.s32 $0xFFFFC000  }
0x10c: {  	[hbm4b:s6+s2] =	stream.linear.scatter [tilespmem:s16], [sflag:$0xA], $0x4000, $0x38;
	[tilespmem:$0x10800] =	vst v63  }
0x10d: {  	s0 =	simm.s32 @!p1 $0x0  }
0x10e: {  	[tilespmem:s0], [sflag:$0x1] =	stream.linear.gather @!p1 [hbm4b:s29+s0], $0x400, $0x38;
	[tilespmem:$0x10800] =	vst v63  }
0x10f: {  	_ =	swait.ge [sflag:s23], $0x4000  }
0x110: {  	[sflag:s23] =	ssyncset.done $0x0  }
0x111: {  	s31 =	rddreg [dreg:$0xa];
	[sflag:s23] =	ssyncadd.s32 $0xFFFFC000  }
0x112: {  	[tilespmem:s13], [sflag:$0x5] =	stream.indirect.gather [hbm4b:s3+s12], $0x80, s31, s12, $0xb8;
	[tilespmem:$0x10800] =	vst v63  }
0x113: {  	_ =	swait.ge [sflag:s14], $0x4000  }
0x114: {  	[sflag:s14] =	ssyncset.done $0x0  }
0x115: {  	s1 =	sadd.s32 $0x4000, s30;
	[sflag:s14] =	ssyncadd.s32 $0xFFFFC000  }
0x116: {  	[hbm4b:s1+s2] =	stream.linear.scatter [tilespmem:s15], [sflag:$0x7], $0x4000, $0x38;
	[tilespmem:$0x10800] =	vst v63  }
0x117: {  	_ =	swait.ge [sflag:s24], $0x4000  }
0x118: {  	[sflag:s24] =	ssyncset.done $0x0  }
0x119: {  	s4 =	rddreg [dreg:$0xb];
	[sflag:s24] =	ssyncadd.s32 $0xFFFFC000  }
0x11a: {  	[tilespmem:s16], [sflag:$0x6] =	stream.indirect.gather [hbm4b:s3+s12], $0x80, s4, s12, $0xb8;
	[tilespmem:$0x10800] =	vst v63  }
0x11b: {  	_ =	swait.ge [sflag:s17], $0x4000  }
0x11c: {  	[sflag:s17] =	ssyncset.done $0x0  }
0x11d: {  	s5 =	sadd.s32 $0x4800, s30;
	[sflag:s17] =	ssyncadd.s32 $0xFFFFC000  }
0x11e: {  	[hbm4b:s5+s2] =	stream.linear.scatter [tilespmem:s18], [sflag:$0x8], $0x4000, $0x38;
	[tilespmem:$0x10800] =	vst v63  }
0x11f: {  	_ =	swait.ge [sflag:s19], $0x4000  }
0x120: {  	[sflag:s19] =	ssyncset.done $0x0  }
0x121: {  	s6 =	rddreg [dreg:$0xc];
	[sflag:s19] =	ssyncadd.s32 $0xFFFFC000  }
0x122: {  	[tilespmem:s15], [sflag:$0x3] =	stream.indirect.gather [hbm4b:s3+s12], $0x80, s6, s12, $0xb8;
	[tilespmem:$0x10800] =	vst v63  }
0x123: {  	_ =	swait.ge [sflag:s20], $0x4000  }
0x124: {  	[sflag:s20] =	ssyncset.done $0x0  }
0x125: {  	s31 =	sadd.s32 $0x5000, s30;
	[sflag:s20] =	ssyncadd.s32 $0xFFFFC000  }
0x126: {  	[hbm4b:s31+s2] =	stream.linear.scatter [tilespmem:s13], [sflag:$0x9], $0x4000, $0x38;
	[tilespmem:$0x10800] =	vst v63  }
0x127: {  	_ =	swait.ge [sflag:s21], $0x4000  }
0x128: {  	[sflag:s21] =	ssyncset.done $0x0  }
0x129: {  	s1 =	rddreg [dreg:$0xd];
	[sflag:s21] =	ssyncadd.s32 $0xFFFFC000  }
0x12a: {  	[tilespmem:s18], [sflag:$0x4] =	stream.indirect.gather [hbm4b:s3+s12], $0x80, s1, s12, $0xb8;
	[tilespmem:$0x10800] =	vst v63  }
0x12b: {  	_ =	swait.ge [sflag:s22], $0x4000  }
0x12c: {  	[sflag:s22] =	ssyncset.done $0x0  }
0x12d: {  	s4 =	sadd.s32 $0x5800, s30;
	[sflag:s22] =	ssyncadd.s32 $0xFFFFC000  }
0x12e: {  	[hbm4b:s4+s2] =	stream.linear.scatter [tilespmem:s16], [sflag:$0xA], $0x4000, $0x38;
	[tilespmem:$0x10800] =	vst v63  }
0x12f: {  	_ =	swait.ge [sflag:s23], $0x4000  }
0x130: {  	[sflag:s23] =	ssyncset.done $0x0  }
0x131: {  	s5 =	rddreg [dreg:$0xe];
	[sflag:s23] =	ssyncadd.s32 $0xFFFFC000  }
0x132: {  	[tilespmem:s13], [sflag:$0x5] =	stream.indirect.gather [hbm4b:s3+s12], $0x80, s5, s12, $0xb8;
	[tilespmem:$0x10800] =	vst v63  }
0x133: {  	_ =	swait.ge [sflag:s14], $0x4000  }
0x134: {  	[sflag:s14] =	ssyncset.done $0x0  }
0x135: {  	s28 =	sadd.s32 $0x8000, s28;
	s6 =	sadd.s32 $0x6000, s30;
	[sflag:s14] =	ssyncadd.s32 $0xFFFFC000  }
0x136: {  	[hbm4b:s6+s2] =	stream.linear.scatter [tilespmem:s15], [sflag:$0x7], $0x4000, $0x38;
	[tilespmem:$0x10800] =	vst v63  }
0x137: {  	p0 =	sne.s32 s28, $0x190000;
	_ =	swait.ge [sflag:s24], $0x4000  }
.Ltmp0:
0x138: {  	[sflag:s24] =	ssyncset.done $0x0;
	(pc) =	sbr.rel @p0 .LBB2_2-.Ltmp0, $4  }
0x139: {  	s31 =	rddreg [dreg:$0xf];
	[sflag:s24] =	ssyncadd.s32 $0xFFFFC000  }
0x13a: {  	[tilespmem:s16], [sflag:$0x6] =	stream.indirect.gather [hbm4b:s3+s12], $0x80, s31, s12, $0xb8;
	[tilespmem:$0x10800] =	vst v63  }
0x13b: {  	_ =	swait.ge [sflag:s17], $0x4000  }
0x13c: {  	s30 =	sadd.s32 $0x6800, s30;
	[sflag:s17] =	ssyncset.done $0x0  }
0x13d: {  	[sflag:s17] =	ssyncadd.s32 $0xFFFFC000  }
0x13e: {  	[hbm4b:s30+s2] =	stream.linear.scatter [tilespmem:s18], [sflag:$0x8], $0x4000, $0x38;
	[tilespmem:$0x10800] =	vst v63  }
0x13f: {  	_ =	swait.ge [sflag:s20], $0x4000  }
0x140: {  	[sflag:s20] =	ssyncset.done $0x0  }
0x141: {  	s0 =	rddreg [dreg:$0x11];
	[sflag:s20] =	ssyncadd.s32 $0xFFFFC000  }
0x142: {  	[hbm4b:s0+s2] =	stream.linear.scatter [tilespmem:s13], [sflag:$0x9], $0x4000, $0x38;
	[tilespmem:$0x10800] =	vst v63  }
0x143: {  	_ =	swait.ge [sflag:s22], $0x4000  }
0x144: {  	[sflag:s22] =	ssyncset.done $0x0  }
0x145: {  	s31 =	rddreg [dreg:$0x12];
	[sflag:s22] =	ssyncadd.s32 $0xFFFFC000  }
0x146: {  	[hbm4b:s31+s2] =	stream.linear.scatter [tilespmem:s16], [sflag:$0xA], $0x4000, $0x38;
	[tilespmem:$0x10800] =	vst v63  }
0x147: {  	_ =	swait.ge [sflag:s19], $0x4000  }
0x148: {  	[sflag:s19] =	ssyncset.done $0x0  }
0x149: {  	[sflag:s19] =	ssyncadd.s32 $0xFFFFC000  }
0x14a: {  	_ =	swait.ge [sflag:s21], $0x4000  }
0x14b: {  	[sflag:s21] =	ssyncset.done $0x0  }
0x14c: {  	s26 =	sadd.s32 $0x1, s26;
	[sflag:s21] =	ssyncadd.s32 $0xFFFFC000  }
0x14d: {  	p0 =	sne.s32 s26, s7;
	_ =	swait.ge [sflag:s23], $0x4000  }
.Ltmp1:
0x14e: {  	[sflag:s23] =	ssyncset.done $0x0;
	(pc) =	sbr.rel @p0 .LBB2_1-.Ltmp1, $4  }
0x14f: {  	[sflag:s23] =	ssyncadd.s32 $0xFFFFC000  }
0x150: {  	_ =	swait.ge [sflag:s24], $0x4000  }
0x151: {  	[sflag:s24] =	ssyncset.done $0x0  }
0x152: {  	[sflag:s24] =	ssyncadd.s32 $0xFFFFC000  }
0x153: {  	_ =	sfence.sel $0x180000  }
0x154: {  	[bflag:$0x0] =	sbarrier.arrive $0xFFFF  }
0x155: {  	_ =	strace $0x90000047  }
0x156: {  	s0 =	stileid.u32;
	[bflag:$0x2] =	sbarrier.arrive $0xFFFF  }
0x157: {  	p0 =	sne.s32 s0, $0x0;
	s0 =	rddreg [dreg:$0x1]  }
0x158: {  	s0 =	sadd.s32 @!p0 $0x100000, s0  }
0x159: {  	[sflag:s0] =	ssyncadd.tile.s32 @!p0 $0x1;
	_ =	shalt  }
.Lfunc_end2:
_tile_overlayer_lowered:
.L_overlay_start_2:
0x15a: {  	(tag) =	ssettag $0x2  }
0x15b: {  	s0 =	rddreg [dreg:$0x0];
	s2 =	stileid.u32  }
0x15c: {  	s1 =	rddreg [dreg:$0x1];
	p0 =	sne.s32 s2, $0x0  }
0x15d: {  	s3 =	rddreg [dreg:$0x2];
	[bflag:$0x3] =	sbarrier.arrive $0xFFFF;
	s2 =	simm.s32 @!p0 $0x1C0B  }
0x15e: {  	[timem:s3], [sflag:s2] =	dma.local @!p0 [hbm:s0], s1  }
0x15f: {  	s0 =	simm.s32 @!p0 $0xB  }
0x160: {  	_ =	swait.ge @!p0 [sflag:s0], s1  }
0x161: {  	s1 =	ssub.s32 @!p0 $0x0, s1;
	[sflag:s0] =	ssyncset.done @!p0 $0x0  }
0x162: {  	[sflag:s0] =	ssyncadd.s32 @!p0 s1  }
0x163: {  	[bflag:$0x3] =	sbarrier.arrive $0xFFFF  }
0x164: {  	_ =	shalt  }

// kernel: sparse-core-data-format-call.cloned.1.call-start
scs
called_computation_lowered:
.L_overlay_start_0:
0x0: {  	s2 =	sld [smem:$0x3FD9]  }
0x1: {  	s3 =	sld [smem:$0x3FFE];
	_ =	sdelay $0x1  }
0x2: {  	s1 =	srdreg.scid  }
0x3: {  	s0 =	sand.u32 $0x1, s1  }
0x4: {  	s18 =	sshll.u32 s0, $0xA;
	s2 =	sadd.s32 s3, s2  }
0x5: {  	s2 =	sadd.s32 s2, s18  }
0x6: {  	[smem:$0x3FC6] =	sst s2  }
0x7: {  	_ = 	snop  }
0x8: {  	s2 =	sld [smem:$0x3FD0];
	(tm) =	ssettm $0x1  }
0x9: {  	s19 =	sld [smem:$0x3FFB];
	_ =	sdelay $0x3  }
0xa: {  	_ =	strace s19  }
0xb: {  	s3 =	sld [smem:$0x3FFC];
	_ =	sdelay $0x3  }
0xc: {  	_ =	strace s3  }
0xd: {  	s3 =	sld [smem:$0x3FFD];
	_ =	sdelay $0x3  }
0xe: {  	_ =	strace s3  }
0xf: {  	_ =	strace $0x8FFFFFFF  }
0x10: {  	s20 =	sld [smem:$0x3FDB];
	_ =	sdelay $0x1  }
0x11: {  	s4 =	simm.s32 $_scs_section_size  }
0x12: {  	s5 =	simm.s32 $_size__tile_overlayer_lowered;
	s6 =	simm.s32 $_tile_overlayer_lowered  }
0x13: {  	s23 =	simm.s32 $0x1BFF;
	s22 =	sshll.u32 s6, $0x1;
	s3 =	sadd.s32 s4, s20  }
0x14: {  	s7 =	simm.s32 $0x0;
	s21 =	sshll.u32 s5, $0x1;
	s5 =	sadd.s32 s22, s3  }
0x15: {  	[timem:s7], [sflag:s23] =	dma.local [hbm:s5], s21  }
0x16: {  	_ =	swait.ge [sflag:s23], s21  }
0x17: {  	s4 =	ssub.s32 $0x0, s21;
	[sflag:s23] =	ssyncset.done $0x0  }
0x18: {  	[sflag:s23] =	ssyncadd.s32 s4;
	_ =	sdelay $0x1  }
0x19: {  	s24 =	simm.s32 $0x1B8B  }
0x1a: {  	_ =	swait.ge [sflag:s24], $0x1  }
0x1b: {  	[sflag:s24] =	ssyncset.done $0x0  }
0x1c: {  	s26 =	simm.s32 $0x1B8E;
	s25 =	sld [smem:$0x3FFE];
	[sflag:s24] =	ssyncadd.s32 $0xFFFFFFFF  }
0x1d: {  	s27 =	simm.s32 $execute0_lowered;
	[smem:$0x3FD2] =	sst s26  }
0x1e: {  	s5 =	sshll.u32 s27, $0x1;
	_ =	strace $0x80000049;
	[dreg:$0x1] =	wrdreg $0xFFFFFFFF  }
0x1f: {  	s28 =	simm.s32 $_size_execute0_lowered;
	s3 =	sadd.s32 s3, s5;
	[dreg:$0x0] =	wrdreg $0x0  }
0x20: {  	s5 =	sshll.u32 s28, $0x1;
	[dreg:$0x2] =	wrdreg s3  }
0x21: {  	[dreg:$0x3] =	wrdreg s5  }
0x22: {  	[dreg:$0x4] =	wrdreg $0xC0  }
0x23: {  	_ =	task [dreg:s7], $0x5FFFF  }
0x24: {  	[dreg:$0x1] =	wrdreg $0xFFFFFFFF  }
0x25: {  	[dreg:$0x0] =	wrdreg $0x60  }
0x26: {  	[dreg:$0x2] =	wrdreg s25  }
0x27: {  	[dreg:$0x3] =	wrdreg s2  }
0x28: {  	[dreg:$0x4] =	wrdreg $0x9  }
0x29: {  	_ =	task.clear_ibuf [dreg:s7], $0x5FFFF;
	_ =	strace $0x90000049  }
0x2a: {  	s29 =	simm.s32 $0x9;
	_ =	strace $0x8000004B  }
0x2b: {  	_ =	swait.ge [sflag:s29], $0x1  }
0x2c: {  	[sflag:s29] =	ssyncadd.s32 $0xFFFFFFFF  }
0x2d: {  	_ =	strace $0x9000004B  }
0x2e: {  	_ =	sfence  }
0x2f: {  	s30 =	sld [smem:$0x0];
	_ =	sdelay $0x2  }
0x30: {  	s31 =	sshll.u32 s1, $0xD;
	s1 =	sshrl.u32 s1, $0x2  }
0x31: {  	s3 =	sand.u32 $0x4000, s31;
	s1 =	sadd.s32 s1, s30  }
0x32: {  	s0 =	sor.u32 s3, s0;
	s1 =	sshll.u32 s1, $0x11  }
0x33: {  	s0 =	sor.u32 s1, s0  }
0x34: {  	s0 =	sadd.s32 $0x8F2B, s0  }
0x35: {  	[sflag:s0] =	ssyncadd.remote.s32 $0x1  }
0x36: {  	_ =	sfence.sel $0xFFFF  }
0x37: {  	[dreg:$0x0] =	wrdreg $0xFFFFFFFF;
	(pc) =	sbr.abs _section_cstart, $3  }
0x38: {  	[dreg:$0x1] =	wrdreg $0xFFFFFFFF  }
0x39: {  	_ =	task.clear_ibuf [dreg:s7], $0x2FFFF;
	_ =	strace $0x9FFFFFFF  }
0x3a: {  	(tm) =	ssettm $0x7FFFFFFF  }
0x3b: {  	_ =	shalt  }
tec
execute0_lowered:
.L_overlay_start_1:
0x0: {  	(tag) =	ssettag $0x1  }
0x1: {  	s0 =	srdreg.scid  }
0x2: {  	s1 =	sshll.u32 s0, $0x4  }
0x3: {  	s0 =	stileid.u32;
	s1 =	sand.u32 $0x10, s1  }
0x4: {  	s1 =	sor.u32 s0, s1  }
0x5: {  	s6 =	rddreg [dreg:$0x0];
	s4 =	simm.s32 $0x1;
	s2 =	sshll.u32 s1, $0x7  }
0x6: {  	s7 =	simm.s32 $0x2;
	s12 =	simm.s32 $0x0;
	s1 =	ssub.s32 $0x4000, s2  }
0x7: {  	s8 =	simm.s32 $0x20000;
	s13 =	simm.s32 $0x0;
	s3 =	sand.u32 $0xF80, s1  }
0x8: {  	s9 =	simm.s32 $0x0;
	s5 =	sshrl.u32 s1, $0xC;
	p0 =	sne.s32 s3, $0x0  }
.Ltmp0:
0x9: {  	s1 =	rddreg [dreg:$0x2];
	s4 =	simm.s32 @!p0 $0x0;
	(pc) =	sbr.rel .LBB1_1-.Ltmp0, $4  }
0xa: {  	s11 =	simm.s32 $0x0;
	s3 =	rddreg [dreg:$0x1];
	s5 =	sadd.s32 s4, s5  }
0xb: {  	_ =	strace $0x8000004A;
	s4 =	simm.s32 $0x1;
	s5 =	smul.u32 $0xC8, s5  }
0xc: {  	s6 =	sadd.s32 $0xFA6C00, s6;
	s10 =	smov.u32 s2;
	[sflag:s4] =	ssyncpa.u1 $0x0  }
0xd: {  	p0 =	por $0x0, $0x0;
	[sflag:s7] =	ssyncpa.u1 $0x0;
	s7 =	sor.u32 $0x1, s5  }
.LBB1_4:
0xe: {  	s16 =	sshll.u32 s13, $0x3;
	s17 =	sand.u32 $0x78, s13  }
0xf: {  	s30 =	sand.u32 $0x1F800, s13;
	s12 =	sshll.u32 s12, $0x11;
	s16 =	sand.u32 $0x3C00, s16  }
0x10: {  	[tilespmem:s15+$0x810 ss:$0x81] =	vst.msk $0xffff, v2;
	s31 =	sand.u32 $0x7, s13;
	s16 =	sor.u32 s17, s16;
	s17 =	sadd.s32 s3, s30  }
0x11: {  	[tilespmem:s15+$0x1020 ss:$0x81] =	vst.msk $0xffff, v0;
	s13 =	sshll.u32 s31, $0x12;
	s12 =	sadd.s32 s12, s17;
	s16 =	sshrl.u32 s16, $0x3  }
0x12: {  	[tilespmem:s15+$0x0 ss:$0x81] =	vst.msk $0xffff, v1;
	s13 =	sor.u32 $0x400, s13;
	s12 =	sadd.s32 s16, s12  }
0x13: {  	[hbm4b:s12+s13] =	stream.strided.scatter [tilespmem:s14], [sflag:$0x2], $0x2000, s8, s13, $0x20;
	[tilespmem:$0x8080] =	vst v63  }
.LBB1_5:
0x14: {  	s14 =	sadd.s32 $0x1, s9  }
0x15: {  	s12 =	sadd.s32 $0x1000, s10;
	s16 =	smov.u32 s10;
	p2 =	sgt.s32 s14, $0xC7  }
0x16: {  	s16 =	smov.u32 @p2 s12  }
0x17: {  	s14 =	simm.s32 @p2 $0x0;
	p2 =	sgt.s32 s16, $0x3FFF  }
0x18: {  	s16 =	smov.u32 @p2 s2;
	p2 =	sne.s32 s11, s7  }
.Ltmp1:
0x19: {  	p1 =	slt.u32 s11, $0x2;
	(pc) =	sbr.rel @!p2 .LBB1_6-.Ltmp1, $4  }
0x1a: {  	s15 =	simm.s32 @!p1 $0x2  }
0x1b: {  	s13 =	smov.u32 s10;
	p0 =	por !p0, !p0;
	_ =	swait.ge @!p1 [sflag:s15], $0x2000  }
0x1c: {  	s12 =	smov.u32 s9;
	[sflag:s15] =	ssyncset.done @!p1 $0x0;
	s9 =	smov.u32 s14  }
0x1d: {  	s11 =	sadd.s32 $0x1, s11;
	[sflag:s15] =	ssyncadd.s32 @!p1 $0xFFFFE000;
	s10 =	smov.u32 s16  }
.LBB1_1:
0x1e: {  	p1 =	sge.u32 s11, s5  }
0x1f: {  	s14 =	sand.u32 @!p1 $0x1FFFFFF, s9  }
0x20: {  	s15 =	smulhi.u32 @!p1 $0x147AE15, s14;
	_ =	sdelay $0x1  }
0x21: {  	s15 =	smul.u32 @!p1 $0xC8, s15  }
0x22: {  	s16 =	sxor.u32 @!p1 $0xFFFFFFFF, s11;
	s17 =	smul.u32 @!p1 $0xC80, s10  }
0x23: {  	s31 =	sadd.s32 $0xFFFFFFFF, s11;
	s16 =	sshll.u32 @!p1 s16, $0xD;
	s14 =	ssub.s32 @!p1 s14, s15  }
0x24: {  	s15 =	sand.u32 @!p1 $0x2000, s16;
	s16 =	sadd.s32 @!p1 s6, s17;
	s14 =	sshll.u32 @!p1 s14, $0x4  }
0x25: {  	s17 =	simm.s32 @!p1 $0x6400;
	s14 =	sadd.s32 @!p1 s14, s16;
	s16 =	simm.s32 @!p1 $0x40  }
0x26: {  	[tilespmem:s15], [sflag:$0x1] =	stream.strided.gather @!p1 [hbm4b:s14+s16], $0x2000, s17, s16, $0x38;
	[tilespmem:$0x8080] =	vst v63  }
0x27: {  	p1 =	sge.u32 s31, s5  }
.Ltmp2:
0x28: {  	_ = 	snop;
	(pc) =	sbr.rel @p1 .LBB1_5-.Ltmp2, $1  }
0x29: {  	_ =	sdelay $0x3  }
0x2a: {  	s14 =	simm.s32 $0x1  }
0x2b: {  	_ =	swait.ge [sflag:s4], $0x2000;
	s14 =	simm.s32 @!p0 $0x0  }
0x2c: {  	[sflag:s4] =	ssyncset.done $0x0;
	s15 =	sshll.u32 s14, $0xD  }
0x2d: {  	[sflag:s4] =	ssyncadd.s32 $0xFFFFE000;
	s18 =	sor.u32 $0x20, s15  }
0x2e: {  	s14 =	smul.u32 $0x8100, s14;
	v3 =	vld [tilespmem:s18+$0x10]  }
0x2f: {  	s30 =	sand.u32 $0x1, s11;
	v2 =	vld [tilespmem:s18+$0xFFFFFFF0]  }
0x30: {  	s15 =	smul.u32 $0x8100, s30;
	s14 =	sshrl.u32 s14, $0x2;
	v0 =	vld [tilespmem:s18+$0x0]  }
0x31: {  	v1 =	vld [tilespmem:s18+$0xFFFFFFE0];
	s16 =	sor.u32 $0x4000, s14  }
0x32: {  	s31 =	sshrl.u32 s15, $0x2;
	s15 =	sadd.s32 $0x0, s16  }
0x33: {  	s17 =	simm.s32 $0x4;
	s18 =	sadd.s32 $0x40, s18;
	s14 =	sor.u32 $0x4000, s31;
	[tilespmem:s15+$0x1830 ss:$0x81] =	vst.msk $0xffff, v3  }
.LBB1_3:
0x34: {  	v3 =	vld [tilespmem:s18+$0x10];
	p1 =	sne.s32 s17, $0x1FC;
	[tilespmem:s15+$0x810 ss:$0x81] =	vst.msk $0xffff, v2;
	s19 =	smov.u32 s17;
	s17 =	sadd.s32 $0x4, s17  }
.Ltmp3:
0x35: {  	v2 =	vld [tilespmem:s18+$0xFFFFFFF0];
	[tilespmem:s15+$0x1020 ss:$0x81] =	vst.msk $0xffff, v0;
	(pc) =	sbr.rel @p1 .LBB1_3-.Ltmp3, $4  }
0x36: {  	v0 =	vld [tilespmem:s18+$0x0];
	[tilespmem:s15+$0x0 ss:$0x81] =	vst.msk $0xffff, v1  }
0x37: {  	s15 =	sshra.s32 s19, $0x2;
	v1 =	vld [tilespmem:s18+$0xFFFFFFE0]  }
0x38: {  	s15 =	sadd.s32 s15, s16  }
0x39: {  	s18 =	sadd.s32 $0x40, s18;
	[tilespmem:s15+$0x1830 ss:$0x81] =	vst.msk $0xffff, v3  }
.Ltmp4:
0x3a: {  	_ = 	snop;
	(pc) =	sbr.rel .LBB1_4-.Ltmp4, $1  }
0x3b: {  	_ =	sdelay $0x3  }
.LBB1_6:
0x3c: {  	_ =	sfence.sel $0x180000  }
0x3d: {  	s2 =	simm.s32 $0x1;
	[bflag:$0x0] =	sbarrier.arrive $0xFFFF  }
0x3e: {  	s31 =	simm.s32 $0x2;
	[sflag:s2] =	ssyncpa.u1 $0x1  }
0x3f: {  	[sflag:s31] =	ssyncpa.u1 $0x1  }
0x40: {  	p0 =	sne.s32 s0, $0x0;
	_ =	strace $0x9000004A  }
0x41: {  	s0 =	sadd.s32 @!p0 $0x100000, s1;
	[bflag:$0x2] =	sbarrier.arrive $0xFFFF  }
0x42: {  	[sflag:s0] =	ssyncadd.tile.s32 @!p0 $0x1;
	_ =	shalt  }
.Lfunc_end1:
_tile_overlayer_lowered:
.L_overlay_start_2:
0x43: {  	(tag) =	ssettag $0x2  }
0x44: {  	s0 =	rddreg [dreg:$0x0];
	s2 =	stileid.u32  }
0x45: {  	s1 =	rddreg [dreg:$0x1];
	p0 =	sne.s32 s2, $0x0  }
0x46: {  	s3 =	rddreg [dreg:$0x2];
	[bflag:$0x3] =	sbarrier.arrive $0xFFFF;
	s2 =	simm.s32 @!p0 $0x1C01  }
0x47: {  	[timem:s3], [sflag:s2] =	dma.local @!p0 [hbm:s0], s1  }
0x48: {  	s0 =	simm.s32 @!p0 $0x1  }
0x49: {  	_ =	swait.ge @!p0 [sflag:s0], s1  }
0x4a: {  	s1 =	ssub.s32 @!p0 $0x0, s1;
	[sflag:s0] =	ssyncset.done @!p0 $0x0  }
0x4b: {  	[sflag:s0] =	ssyncadd.s32 @!p0 s1  }
0x4c: {  	[bflag:$0x3] =	sbarrier.arrive $0xFFFF  }
0x4d: {  	_ =	shalt  }

</sc_bundles>
